<compile_context>
chip_gen: v7x
topology: tpu7x:2x2x1
jax: 0.10.2.dev20260603
libtpu: 0.0.44.dev20260713+nightly
codegen_flags: <defaults>
</compile_context>

<pallas_src>
import jax
import jax.numpy as jnp
from jax import lax
from jax.experimental import pallas as pl
from jax.experimental.pallas import tpu as pltpu
from jax.experimental.pallas import tpu_sc as plsc

DIM = 768
HID = DIM // 2
NTOK = 8192
NBATCH = 4
KEEP = 4096
NROWS = NBATCH * NTOK
OUT_ROWS = NBATCH * KEEP
ROW_TILE = 1024
NTILES = NROWS // ROW_TILE
ROWS_PER_BATCH = NTOK // ROW_TILE
TCHUNK = 1024

NC = 2
NSUB = 16
NWORK = NC * NSUB
OUT_PER_W = OUT_ROWS // NWORK
GCHUNK = 128
NGC = OUT_PER_W // GCHUNK


def _score_body(tok_ref, w1_ref, b1_ref, w2_ref, b2_ref, out_ref):
    h = jnp.dot(tok_ref[...], w1_ref[...], preferred_element_type=jnp.float32)
    h = h + b1_ref[...]
    h = 0.5 * h * (1.0 + lax.erf(h * jnp.float32(0.7071067811865476)))
    s = jnp.dot(h, w2_ref[...], preferred_element_type=jnp.float32)
    out_ref[...] = s + b2_ref[...]


def _scores_tc(tok2d, W1, b1, W2, b2, interpret=False):
    return pl.pallas_call(
        _score_body,
        grid=(NTILES,),
        in_specs=[
            pl.BlockSpec((ROW_TILE, DIM), lambda i: (i, 0)),
            pl.BlockSpec((DIM, HID), lambda i: (0, 0)),
            pl.BlockSpec((1, HID), lambda i: (0, 0)),
            pl.BlockSpec((HID, 1), lambda i: (0, 0)),
            pl.BlockSpec((1, 1), lambda i: (0, 0)),
        ],
        out_specs=pl.BlockSpec((ROW_TILE, 1), lambda i: (i, 0)),
        out_shape=jax.ShapeDtypeStruct((NROWS, 1), jnp.float32),
        interpret=interpret,
    )(tok2d, W1, b1.reshape(1, HID), W2, b2.reshape(1, 1))


def _select_body(s_ref, src_ref):
    ir = lax.broadcasted_iota(jnp.int32, (ROW_TILE, ROW_TILE), 0)
    ic = lax.broadcasted_iota(jnp.int32, (ROW_TILE, ROW_TILE), 1)
    upper = (ir <= ic).astype(jnp.float32)
    lr = lax.broadcasted_iota(jnp.int32, (ROWS_PER_BATCH, ROWS_PER_BATCH), 0)
    lc = lax.broadcasted_iota(jnp.int32, (ROWS_PER_BATCH, ROWS_PER_BATCH), 1)
    strict_lower = (lc < lr).astype(jnp.float32)

    def cumsum_rows(x):
        within = jnp.dot(x, upper, preferred_element_type=jnp.float32)
        row_off = jnp.sum(
            jnp.dot(strict_lower, x, preferred_element_type=jnp.float32),
            axis=1, keepdims=True)
        return within + row_off

    tcol = lax.broadcasted_iota(jnp.int32, (TCHUNK, 1, 1), 0)

    for b in range(NBATCH):
        s = s_ref[b * ROWS_PER_BATCH:(b + 1) * ROWS_PER_BATCH, :]
        u = lax.bitcast_convert_type(s, jnp.uint32)
        sgn = u >> jnp.uint32(31)
        key = u ^ (jnp.uint32(0x80000000) + sgn * jnp.uint32(0x7FFFFFFF))

        def bis(t, T):
            bit = jnp.uint32(31) - t.astype(jnp.uint32)
            cand = T | (jnp.uint32(1) << bit)
            cnt = jnp.sum((key >= cand).astype(jnp.int32))
            return jnp.where(cnt >= KEEP, cand, T)

        T = lax.fori_loop(0, 32, bis, jnp.uint32(0))

        gt = key > T
        eq = key == T
        need = KEEP - jnp.sum(gt.astype(jnp.int32))
        eq_cum = cumsum_rows(eq.astype(jnp.float32)).astype(jnp.int32)
        kept = gt | (eq & (eq_cum <= need))
        rank_incl = cumsum_rows(kept.astype(jnp.float32)).astype(jnp.int32)

        r3 = rank_incl[None, :, :]
        for tc in range(KEEP // TCHUNK):
            tval = tcol + tc * TCHUNK
            cnts = jnp.sum((r3 <= tval).astype(jnp.int32), axis=(1, 2),
                           keepdims=False)
            src_ref[b * KEEP + tc * TCHUNK:
                    b * KEEP + (tc + 1) * TCHUNK, :] = (
                cnts.reshape(TCHUNK, 1) + b * NTOK)


def _select_tc(scores, interpret=False):
    return pl.pallas_call(
        _select_body,
        out_shape=jax.ShapeDtypeStruct((OUT_ROWS, 1), jnp.int32),
        interpret=interpret,
    )(scores)


def _diag_body(s_ref, keep_ref):
    for b in range(NBATCH):
        s = s_ref[b * ROWS_PER_BATCH:(b + 1) * ROWS_PER_BATCH, :]
        u = lax.bitcast_convert_type(s, jnp.uint32)
        sgn = u >> jnp.uint32(31)
        key = u ^ (jnp.uint32(0x80000000) + sgn * jnp.uint32(0x7FFFFFFF))

        def bis(t, T):
            bit = jnp.uint32(31) - t.astype(jnp.uint32)
            cand = T | (jnp.uint32(1) << bit)
            cnt = jnp.sum((key >= cand).astype(jnp.int32))
            return jnp.where(cnt >= KEEP, cand, T)

        T = lax.fori_loop(0, 32, bis, jnp.uint32(0))
        gt = key > T
        ir = lax.broadcasted_iota(jnp.int32, (ROW_TILE, ROW_TILE), 0)
        ic = lax.broadcasted_iota(jnp.int32, (ROW_TILE, ROW_TILE), 1)
        upper = (ir <= ic).astype(jnp.float32)
        lr = lax.broadcasted_iota(jnp.int32, (ROWS_PER_BATCH, ROWS_PER_BATCH), 0)
        lc = lax.broadcasted_iota(jnp.int32, (ROWS_PER_BATCH, ROWS_PER_BATCH), 1)
        strict_lower = (lc < lr).astype(jnp.float32)
        x = gt.astype(jnp.float32)
        within = jnp.dot(x, upper, preferred_element_type=jnp.float32)
        row_off = jnp.sum(
            jnp.dot(strict_lower, x, preferred_element_type=jnp.float32),
            axis=1, keepdims=True)
        keep_ref[b * ROWS_PER_BATCH:(b + 1) * ROWS_PER_BATCH, :] = (
            within + row_off).astype(jnp.int32)


def _diag_tc(scores):
    return pl.pallas_call(
        _diag_body,
        out_shape=jax.ShapeDtypeStruct((NTILES, ROW_TILE), jnp.int32),
    )(scores)


def _sc_body(tok_hbm, sidx_hbm, out_hbm, idx_v, rows, sem):
    wid = lax.axis_index("s") * NC + lax.axis_index("c")
    base = wid * OUT_PER_W
    pltpu.sync_copy(sidx_hbm.at[pl.ds(base, OUT_PER_W)], idx_v)

    def gbody(j, _):
        pltpu.async_copy(
            tok_hbm.at[idx_v.at[pl.ds(GCHUNK * j, GCHUNK)]], rows, sem).wait()
        pltpu.sync_copy(rows, out_hbm.at[pl.ds(base + GCHUNK * j, GCHUNK)])
        return 0

    lax.fori_loop(0, NGC, gbody, 0)


def _sc_gather(tok2d, sidx_flat):
    mesh = plsc.VectorSubcoreMesh(core_axis_name="c", subcore_axis_name="s")
    f = pl.kernel(
        _sc_body,
        out_type=jax.ShapeDtypeStruct((OUT_ROWS, DIM), jnp.float32),
        mesh=mesh,
        scratch_types=[
            pltpu.VMEM((OUT_PER_W,), jnp.int32),
            pltpu.VMEM((GCHUNK, DIM), jnp.float32),
            pltpu.SemaphoreType.DMA,
        ],
    )
    return f(tok2d, sidx_flat)


def kernel(tokens, W1, b1, W2, b2):
    tok2d = tokens.reshape(NROWS, DIM)
    s = _scores_tc(tok2d, W1, b1, W2, b2)
    sidx = _select_tc(s.reshape(NTILES, ROW_TILE))
    out = _sc_gather(tok2d, sidx.reshape(OUT_ROWS))
    return out.reshape(NBATCH, KEEP, DIM)

# --- scband reference (transcript-rebuilt; emitter-appended) ---
"""Pipeline reference for scband-dynamic-token-router-66305705116355 (READ-ONLY COPY).

The authoritative reference and input builder live on the scoring server;
editing this copy changes nothing except your own understanding.
"""

import jax, jax.numpy as jnp
import numpy as np

DIM = 768
NUM_TOKENS = 8192
BATCH = 4
KEEP_RATIO = 0.5
TEMPERATURE = 1.0


def setup_inputs(seed: int = 0) -> dict:
    key = jax.random.key(seed)
    k_tok, k_w1, k_b1, k_w2, k_b2 = jax.random.split(key, 5)
    tokens = jax.random.normal(k_tok, (BATCH, NUM_TOKENS, DIM), dtype=jnp.float32)
    hid = DIM // 2
    # Linear(dim, dim//2)
    lim1 = 1.0 / np.sqrt(DIM)
    W1 = jax.random.uniform(k_w1, (DIM, hid), minval=-lim1, maxval=lim1, dtype=jnp.float32)
    b1 = jax.random.uniform(k_b1, (hid,), minval=-lim1, maxval=lim1, dtype=jnp.float32)
    # Linear(dim//2, 1)
    lim2 = 1.0 / np.sqrt(hid)
    W2 = jax.random.uniform(k_w2, (hid, 1), minval=-lim2, maxval=lim2, dtype=jnp.float32)
    b2 = jax.random.uniform(k_b2, (1,), minval=-lim2, maxval=lim2, dtype=jnp.float32)
    return {"tokens": tokens, "W1": W1, "b1": b1, "W2": W2, "b2": b2}


def reference(tokens, W1, b1, W2, b2):
    batch_size, num_tokens, dim = tokens.shape
    num_keep = max(1, int(num_tokens * KEEP_RATIO))
    # scorer: Linear -> GELU (exact, matching torch default) -> Linear
    h = jnp.dot(tokens, W1) + b1
    h = jax.nn.gelu(h, approximate=False)
    scores = (jnp.dot(h, W2) + b2).squeeze(-1)
    scores = scores / TEMPERATURE
    _, indices = jax.lax.top_k(scores, num_keep)
    indices = jnp.sort(indices, axis=-1)
    idx_exp = indices[:, :, None]
    selected_tokens = jnp.take_along_axis(tokens, jnp.broadcast_to(idx_exp, (batch_size, num_keep, dim)), axis=1)
    return selected_tokens

if __name__ == "__main__":
    import jax
    _d = setup_inputs()
    print(jax.jit(kernel)(*tuple(_d.values())))

</pallas_src>

<mosaic_0001>
#map = affine_map<(d0, d1) -> (0, 0)>
#map1 = affine_map<(d0, d1) -> (0)>
module attributes {stable_mosaic.version = 14 : i64} {
  func.func @_sc_body(%arg0: i32, %arg1: i32, %arg2: memref<32768x768xf32, #tpu.memory_space<hbm>>, %arg3: memref<16384xi32, #tpu.memory_space<hbm>>, %arg4: memref<16384x768xf32, #tpu.memory_space<hbm>>, %arg5: memref<512xi32, #tpu.memory_space<vmem>>, %arg6: memref<128x768xf32, #tpu.memory_space<vmem>>, %arg7: memref<!tpu.dma_semaphore, #tpu.memory_space<semaphore_mem>>) attributes {dimension_semantics = [#tpu.dimension_semantics<core_parallel>, #tpu.dimension_semantics<subcore_parallel>], iteration_bounds = array<i64: 2, 16>, scalar_prefetch = 0 : i64, scratch_operands = 3 : i64, tpu.core_type = #tpu.core_type<sc_vector_subcore>, window_params = [{transform_indices = #map}, {transform_indices = #map1}, {transform_indices = #map}]} {
    %mul3A = arith.constant 2 : i32
    %mul3A_0 = arith.muli %arg1, %mul3A : i32
    %add3A = arith.addi %mul3A_0, %arg0 : i32
    %mul3A_1 = arith.constant 512 : i32
    %mul3A_2 = arith.muli %add3A, %mul3A_1 : i32
    "tpu.region"() ({
      %run_scoped3A = tpu.sem_alloc : memref<!tpu.dma_semaphore, #tpu.memory_space<semaphore_mem>>
      %dma_start3A = tpu.memref_slice %arg3[%mul3A_2] : memref<16384xi32, #tpu.memory_space<hbm>> -> memref<512xi32, #tpu.memory_space<hbm>>
      %dma_start3A_9 = tpu.memref_slice %arg3[%mul3A_2] : memref<16384xi32, #tpu.memory_space<hbm>> -> memref<512xi32, #tpu.memory_space<hbm>>
      tpu.enqueue_dma source(%dma_start3A_9 : memref<512xi32, #tpu.memory_space<hbm>>) target(%arg5 : memref<512xi32, #tpu.memory_space<vmem>>) target_semaphore(%run_scoped3A : memref<!tpu.dma_semaphore, #tpu.memory_space<semaphore_mem>>)
      %dma_wait3A = tpu.memref_slice %arg3[%mul3A_2] : memref<16384xi32, #tpu.memory_space<hbm>> -> memref<512xi32, #tpu.memory_space<hbm>>
      %dma_wait3A_10 = tpu.memref_slice %arg3[%mul3A_2] : memref<16384xi32, #tpu.memory_space<hbm>> -> memref<512xi32, #tpu.memory_space<hbm>>
      tpu.wait_dma2 semaphore(%run_scoped3A : memref<!tpu.dma_semaphore, #tpu.memory_space<semaphore_mem>>) src(%dma_wait3A_10 : memref<512xi32, #tpu.memory_space<hbm>>) dst(%arg5 : memref<512xi32, #tpu.memory_space<vmem>>)
      tpu.yield
    }) : () -> ()
    %scan3A = arith.constant 0 : i32
    %scan3A_3 = arith.constant 0 : i32
    %scan3A_4 = arith.constant 4 : i32
    %scan3A_5 = arith.addi %scan3A_3, %scan3A_4 : i32
    %scan3A_6 = arith.constant 1 : i32
    %scan3A_7 = scf.for %scan3A_9 = %scan3A_3 to %scan3A_5 step %scan3A_6 iter_args(%scan3A_10 = %scan3A) -> (i32)  : i32 {
      %mul3A_11 = arith.constant 128 : i32
      %mul3A_12 = arith.muli %mul3A_11, %scan3A_9 : i32
      %dma_start3A = tpu.memref_slice %arg5[%mul3A_12] : memref<512xi32, #tpu.memory_space<vmem>> -> memref<128xi32, #tpu.memory_space<vmem>>
      %dma_start3A_13 = arith.constant 0 : i32
      %dma_start3A_14 = arith.constant 0 : i32
      %dma_start3A_15 = tpu.memref_slice %arg2[%dma_start3A_13, %dma_start3A_14] : memref<32768x768xf32, #tpu.memory_space<hbm>> -> memref<32768x768xf32, #tpu.memory_space<hbm>>
      tpu.enqueue_indirect_dma source(%dma_start3A_15 : memref<32768x768xf32, #tpu.memory_space<hbm>>) target(%arg6 : memref<128x768xf32, #tpu.memory_space<vmem>>) offsets(%dma_start3A : memref<128xi32, #tpu.memory_space<vmem>>) semaphore(%arg7 : memref<!tpu.dma_semaphore, #tpu.memory_space<semaphore_mem>>)
      %dma_wait3A = tpu.memref_slice %arg5[%mul3A_12] : memref<512xi32, #tpu.memory_space<vmem>> -> memref<128xi32, #tpu.memory_space<vmem>>
      %dma_wait3A_16 = arith.constant 0 : i32
      %dma_wait3A_17 = arith.constant 0 : i32
      %dma_wait3A_18 = tpu.memref_slice %arg2[%dma_wait3A_16, %dma_wait3A_17] : memref<32768x768xf32, #tpu.memory_space<hbm>> -> memref<32768x768xf32, #tpu.memory_space<hbm>>
      tpu.wait_indirect_dma semaphore(%arg7 : memref<!tpu.dma_semaphore, #tpu.memory_space<semaphore_mem>>) src(%dma_wait3A_18 : memref<32768x768xf32, #tpu.memory_space<hbm>>) dst(%arg6 : memref<128x768xf32, #tpu.memory_space<vmem>>)
      %mul3A_19 = arith.constant 128 : i32
      %mul3A_20 = arith.muli %mul3A_19, %scan3A_9 : i32
      %add3A_21 = arith.addi %mul3A_2, %mul3A_20 : i32
      "tpu.region"() ({
        %run_scoped3A = tpu.sem_alloc : memref<!tpu.dma_semaphore, #tpu.memory_space<semaphore_mem>>
        %dma_start3A_23 = arith.constant 0 : i32
        %dma_start3A_24 = tpu.memref_slice %arg4[%add3A_21, %dma_start3A_23] : memref<16384x768xf32, #tpu.memory_space<hbm>> -> memref<128x768xf32, #tpu.memory_space<hbm>>
        %dma_start3A_25 = arith.constant 0 : i32
        %dma_start3A_26 = tpu.memref_slice %arg4[%add3A_21, %dma_start3A_25] : memref<16384x768xf32, #tpu.memory_space<hbm>> -> memref<128x768xf32, #tpu.memory_space<hbm>>
        tpu.enqueue_dma source(%arg6 : memref<128x768xf32, #tpu.memory_space<vmem>>) target(%dma_start3A_26 : memref<128x768xf32, #tpu.memory_space<hbm>>) target_semaphore(%run_scoped3A : memref<!tpu.dma_semaphore, #tpu.memory_space<semaphore_mem>>)
        %dma_wait3A_27 = arith.constant 0 : i32
        %dma_wait3A_28 = tpu.memref_slice %arg4[%add3A_21, %dma_wait3A_27] : memref<16384x768xf32, #tpu.memory_space<hbm>> -> memref<128x768xf32, #tpu.memory_space<hbm>>
        %dma_wait3A_29 = arith.constant 0 : i32
        %dma_wait3A_30 = tpu.memref_slice %arg4[%add3A_21, %dma_wait3A_29] : memref<16384x768xf32, #tpu.memory_space<hbm>> -> memref<128x768xf32, #tpu.memory_space<hbm>>
        tpu.wait_dma2 semaphore(%run_scoped3A : memref<!tpu.dma_semaphore, #tpu.memory_space<semaphore_mem>>) src(%arg6 : memref<128x768xf32, #tpu.memory_space<vmem>>) dst(%dma_wait3A_30 : memref<128x768xf32, #tpu.memory_space<hbm>>)
        tpu.yield
      }) : () -> ()
      %scan3A_22 = arith.constant 0 : i32
      scf.yield %scan3A_22 : i32
    }
    %scan3A_8 = arith.constant 4 : i32
    return
  }
}

module attributes {stable_mosaic.version = 14 : i64} {
  func.func @_score_body(%arg0: i32, %arg1: memref<1024x768xf32, #tpu.memory_space<vmem>>, %arg2: memref<768x384xf32, #tpu.memory_space<vmem>>, %arg3: memref<1x384xf32, #tpu.memory_space<vmem>>, %arg4: memref<384x1xf32, #tpu.memory_space<vmem>>, %arg5: memref<1x1xf32, #tpu.memory_space<vmem>>, %arg6: memref<1024x1xf32, #tpu.memory_space<vmem>>) attributes {dimension_semantics = [#tpu.dimension_semantics<arbitrary>], iteration_bounds = array<i64: 32>, scalar_prefetch = 0 : i64, scratch_operands = 0 : i64, tpu.core_type = #tpu.core_type<tc>, window_params = [{transform_indices = @transform_0, window_bounds = array<i64: 1024, 768>}, {pipeline_mode = #tpu.pipeline_mode<synchronous>, transform_indices = @transform_1, window_bounds = array<i64: 768, 384>}, {pipeline_mode = #tpu.pipeline_mode<synchronous>, transform_indices = @transform_2, window_bounds = array<i64: 1, 384>}, {pipeline_mode = #tpu.pipeline_mode<synchronous>, transform_indices = @transform_3, window_bounds = array<i64: 384, 1>}, {pipeline_mode = #tpu.pipeline_mode<synchronous>, transform_indices = @transform_4, window_bounds = array<i64: 1, 1>}, {transform_indices = @transform_5, window_bounds = array<i64: 1024, 1>}]} {
    %get3A = arith.constant 0 : index
    %get3A_0 = arith.constant 0 : index
    %get3A_1 = vector.load %arg1[%get3A, %get3A_0] : memref<1024x768xf32, #tpu.memory_space<vmem>>, vector<1024x768xf32>
    %get3A_2 = arith.constant 0 : index
    %get3A_3 = arith.constant 0 : index
    %get3A_4 = vector.load %arg2[%get3A_2, %get3A_3] : memref<768x384xf32, #tpu.memory_space<vmem>>, vector<768x384xf32>
    %dot_general3A = arith.constant dense<0.000000e+00> : vector<1024x384xf32>
    %dot_general3A_5 = tpu.matmul %get3A_1, %get3A_4, %dot_general3A {dimension_numbers = #tpu.dot_dimension_numbers<[1], [0], [0], [1], [0, 0, 1, 1], [], []>, transpose_lhs_hint = false} : vector<1024x768xf32>, vector<768x384xf32>, vector<1024x384xf32> -> vector<1024x384xf32>
    %get3A_6 = arith.constant 0 : index
    %get3A_7 = arith.constant 0 : index
    %get3A_8 = vector.load %arg3[%get3A_6, %get3A_7] : memref<1x384xf32, #tpu.memory_space<vmem>>, vector<1x384xf32>
    %add3A = vector.broadcast %get3A_8 : vector<1x384xf32> to vector<1024x384xf32>
    %add3A_9 = arith.addf %dot_general3A_5, %add3A : vector<1024x384xf32>
    %mul3A = arith.constant 5.000000e-01 : f32
    %mul3A_10 = vector.broadcast %mul3A : f32 to vector<1024x384xf32>
    %mul3A_11 = arith.mulf %mul3A_10, %add3A_9 : vector<1024x384xf32>
    %mul3A_12 = arith.constant 0.707106769 : f32
    %mul3A_13 = vector.broadcast %mul3A_12 : f32 to vector<1024x384xf32>
    %mul3A_14 = arith.mulf %add3A_9, %mul3A_13 : vector<1024x384xf32>
    %erf3A = math.erf %mul3A_14 : vector<1024x384xf32>
    %add3A_15 = arith.constant 1.000000e+00 : f32
    %add3A_16 = vector.broadcast %add3A_15 : f32 to vector<1024x384xf32>
    %add3A_17 = arith.addf %add3A_16, %erf3A : vector<1024x384xf32>
    %mul3A_18 = arith.mulf %mul3A_11, %add3A_17 : vector<1024x384xf32>
    %get3A_19 = arith.constant 0 : index
    %get3A_20 = arith.constant 0 : index
    %get3A_21 = vector.load %arg4[%get3A_19, %get3A_20] : memref<384x1xf32, #tpu.memory_space<vmem>>, vector<384x1xf32>
    %dot_general3A_22 = arith.constant dense<0.000000e+00> : vector<1024x1xf32>
    %dot_general3A_23 = tpu.matmul %mul3A_18, %get3A_21, %dot_general3A_22 {dimension_numbers = #tpu.dot_dimension_numbers<[1], [0], [0], [1], [0, 0, 1, 1], [], []>, transpose_lhs_hint = false} : vector<1024x384xf32>, vector<384x1xf32>, vector<1024x1xf32> -> vector<1024x1xf32>
    %get3A_24 = arith.constant 0 : index
    %get3A_25 = arith.constant 0 : index
    %get3A_26 = vector.load %arg5[%get3A_24, %get3A_25] : memref<1x1xf32, #tpu.memory_space<vmem>>, vector<1x1xf32>
    %add3A_27 = vector.broadcast %get3A_26 : vector<1x1xf32> to vector<1024x1xf32>
    %add3A_28 = arith.addf %dot_general3A_23, %add3A_27 : vector<1024x1xf32>
    %swap3A = arith.constant 0 : index
    %swap3A_29 = arith.constant 0 : index
    %swap3A_30 = vector.load %arg6[%swap3A, %swap3A_29] : memref<1024x1xf32, #tpu.memory_space<vmem>>, vector<1024x1xf32>
    tpu.vector_store %arg6[%swap3A, %swap3A_29], %add3A_28 {strides = array<i32>} : memref<1024x1xf32, #tpu.memory_space<vmem>>, vector<1024x1xf32>,
    return
  }
  func.func @transform_0(%arg0: i32) -> (i32, i32) {
    %c0_i32 = arith.constant 0 : i32
    %c0_i32_0 = arith.constant 0 : i32
    return %arg0, %c0_i32 : i32, i32
  }
  func.func @transform_1(%arg0: i32) -> (i32, i32) {
    %c0_i32 = arith.constant 0 : i32
    %c0_i32_0 = arith.constant 0 : i32
    %c0_i32_1 = arith.constant 0 : i32
    return %c0_i32, %c0_i32_0 : i32, i32
  }
  func.func @transform_2(%arg0: i32) -> (i32, i32) {
    %c0_i32 = arith.constant 0 : i32
    %c0_i32_0 = arith.constant 0 : i32
    %c0_i32_1 = arith.constant 0 : i32
    return %c0_i32, %c0_i32_0 : i32, i32
  }
  func.func @transform_3(%arg0: i32) -> (i32, i32) {
    %c0_i32 = arith.constant 0 : i32
    %c0_i32_0 = arith.constant 0 : i32
    %c0_i32_1 = arith.constant 0 : i32
    return %c0_i32, %c0_i32_0 : i32, i32
  }
  func.func @transform_4(%arg0: i32) -> (i32, i32) {
    %c0_i32 = arith.constant 0 : i32
    %c0_i32_0 = arith.constant 0 : i32
    %c0_i32_1 = arith.constant 0 : i32
    return %c0_i32, %c0_i32_0 : i32, i32
  }
  func.func @transform_5(%arg0: i32) -> (i32, i32) {
    %c0_i32 = arith.constant 0 : i32
    %c0_i32_0 = arith.constant 0 : i32
    return %arg0, %c0_i32 : i32, i32
  }
}

module attributes {stable_mosaic.version = 14 : i64} {
  func.func @_select_body(%arg0: memref<32x1024xf32, #tpu.memory_space<vmem>>, %arg1: memref<16384x1xi32, #tpu.memory_space<vmem>>) attributes {dimension_semantics = [], scalar_prefetch = 0 : i64, scratch_operands = 0 : i64, tpu.core_type = #tpu.core_type<tc>} {
    %iota3A = tpu.iota {dimensions = array<i32: 0>} : vector<1024x1024xi32>
    %iota3A_0 = tpu.iota {dimensions = array<i32: 1>} : vector<1024x1024xi32>
    %le3A = arith.cmpi sle, %iota3A, %iota3A_0 : vector<1024x1024xi32>
    %convert_element_type3A = arith.extui %le3A : vector<1024x1024xi1> to vector<1024x1024xi32>
    %convert_element_type3A_1 = arith.sitofp %convert_element_type3A : vector<1024x1024xi32> to vector<1024x1024xf32>
    %iota3A_2 = tpu.iota {dimensions = array<i32: 0>} : vector<8x8xi32>
    %iota3A_3 = tpu.iota {dimensions = array<i32: 1>} : vector<8x8xi32>
    %lt3A = arith.cmpi slt, %iota3A_3, %iota3A_2 : vector<8x8xi32>
    %convert_element_type3A_4 = arith.extui %lt3A : vector<8x8xi1> to vector<8x8xi32>
    %convert_element_type3A_5 = arith.sitofp %convert_element_type3A_4 : vector<8x8xi32> to vector<8x8xf32>
    %iota3A_6 = tpu.iota {dimensions = array<i32: 0>} : vector<1024x1x1xi32>
    %get3A = arith.constant 0 : index
    %get3A_7 = arith.constant 0 : index
    %get3A_8 = vector.load %arg0[%get3A, %get3A_7] : memref<32x1024xf32, #tpu.memory_space<vmem>>, vector<8x1024xf32>
    %bitcast_convert_type3A = tpu.bitcast %get3A_8 : vector<8x1024xf32> -> vector<8x1024xi32>
    %shift_right_logical3A = arith.constant 31 : i32
    %shift_right_logical3A_9 = vector.broadcast %shift_right_logical3A : i32 to vector<8x1024xi32>
    %shift_right_logical3A_10 = arith.shrui %bitcast_convert_type3A, %shift_right_logical3A_9 : vector<8x1024xi32>
    %mul3A = arith.constant 2147483647 : i32
    %mul3A_11 = vector.broadcast %mul3A : i32 to vector<8x1024xi32>
    %mul3A_12 = arith.muli %shift_right_logical3A_10, %mul3A_11 : vector<8x1024xi32>
    %add3A = arith.constant -2147483648 : i32
    %add3A_13 = vector.broadcast %add3A : i32 to vector<8x1024xi32>
    %add3A_14 = arith.addi %add3A_13, %mul3A_12 : vector<8x1024xi32>
    %xor3A = arith.xori %bitcast_convert_type3A, %add3A_14 : vector<8x1024xi32>
    %scan3A = arith.constant 0 : i32
    %scan3A_15 = arith.constant 0 : i32
    %scan3A_16 = arith.constant 32 : i32
    %scan3A_17 = arith.addi %scan3A_15, %scan3A_16 : i32
    %scan3A_18 = arith.constant 1 : i32
    %scan3A_19 = scf.for %scan3A_494 = %scan3A_15 to %scan3A_17 step %scan3A_18 iter_args(%scan3A_495 = %scan3A) -> (i32)  : i32 {
      %sub3A_496 = arith.constant 31 : i32
      %sub3A_497 = arith.subi %sub3A_496, %scan3A_494 : i32
      %shift_left3A = arith.constant 1 : i32
      %shift_left3A_498 = arith.shli %shift_left3A, %sub3A_497 : i32
      %or3A_499 = arith.ori %scan3A_495, %shift_left3A_498 : i32
      %ge3A = vector.broadcast %or3A_499 : i32 to vector<8x1024xi32>
      %ge3A_500 = arith.cmpi uge, %xor3A, %ge3A : vector<8x1024xi32>
      %convert_element_type3A_501 = arith.extui %ge3A_500 : vector<8x1024xi1> to vector<8x1024xi32>
      %reduce_sum3A_502 = vector.shape_cast %convert_element_type3A_501 : vector<8x1024xi32> to vector<1x8x1024xi32>
      %reduce_sum3A_503 = arith.constant dense<0> : vector<1xi32>
      %reduce_sum3A_504 = vector.multi_reduction <add>, %reduce_sum3A_502, %reduce_sum3A_503 [1, 2] : vector<1x8x1024xi32> to vector<1xi32>
      %reduce_sum3A_505 = vector.shape_cast %reduce_sum3A_504 : vector<1xi32> to vector<1x1x1xi32>
      %reduce_sum3A_506 = vector.extract %reduce_sum3A_505[0, 0, 0] : i32 from vector<1x1x1xi32>
      %ge3A_507 = arith.constant 4096 : i32
      %ge3A_508 = arith.cmpi sge, %reduce_sum3A_506, %ge3A_507 : i32
      %select_n3A = arith.select %ge3A_508, %or3A_499, %scan3A_495 : i32
      scf.yield %select_n3A : i32
    }
    %scan3A_20 = arith.constant 32 : i32
    %gt3A = vector.broadcast %scan3A_19 : i32 to vector<8x1024xi32>
    %gt3A_21 = arith.cmpi ugt, %xor3A, %gt3A : vector<8x1024xi32>
    %eq3A = vector.broadcast %scan3A_19 : i32 to vector<8x1024xi32>
    %eq3A_22 = arith.cmpi eq, %xor3A, %eq3A : vector<8x1024xi32>
    %convert_element_type3A_23 = arith.extui %gt3A_21 : vector<8x1024xi1> to vector<8x1024xi32>
    %reduce_sum3A = vector.shape_cast %convert_element_type3A_23 : vector<8x1024xi32> to vector<1x8x1024xi32>
    %reduce_sum3A_24 = arith.constant dense<0> : vector<1xi32>
    %reduce_sum3A_25 = vector.multi_reduction <add>, %reduce_sum3A, %reduce_sum3A_24 [1, 2] : vector<1x8x1024xi32> to vector<1xi32>
    %reduce_sum3A_26 = vector.shape_cast %reduce_sum3A_25 : vector<1xi32> to vector<1x1x1xi32>
    %reduce_sum3A_27 = vector.extract %reduce_sum3A_26[0, 0, 0] : i32 from vector<1x1x1xi32>
    %sub3A = arith.constant 4096 : i32
    %sub3A_28 = arith.subi %sub3A, %reduce_sum3A_27 : i32
    %convert_element_type3A_29 = arith.extui %eq3A_22 : vector<8x1024xi1> to vector<8x1024xi32>
    %convert_element_type3A_30 = arith.sitofp %convert_element_type3A_29 : vector<8x1024xi32> to vector<8x1024xf32>
    %dot_general3A = arith.constant dense<0.000000e+00> : vector<8x1024xf32>
    %dot_general3A_31 = tpu.matmul %convert_element_type3A_30, %convert_element_type3A_1, %dot_general3A {dimension_numbers = #tpu.dot_dimension_numbers<[1], [0], [0], [1], [0, 0, 1, 1], [], []>, transpose_lhs_hint = false} : vector<8x1024xf32>, vector<1024x1024xf32>, vector<8x1024xf32> -> vector<8x1024xf32>
    %dot_general3A_32 = arith.constant dense<0.000000e+00> : vector<8x1024xf32>
    %dot_general3A_33 = tpu.matmul %convert_element_type3A_5, %convert_element_type3A_30, %dot_general3A_32 {dimension_numbers = #tpu.dot_dimension_numbers<[1], [0], [0], [1], [0, 0, 1, 1], [], []>, transpose_lhs_hint = false} : vector<8x8xf32>, vector<8x1024xf32>, vector<8x1024xf32> -> vector<8x1024xf32>
    %reduce_sum3A_34 = arith.constant dense<0.000000e+00> : vector<8xf32>
    %reduce_sum3A_35 = vector.multi_reduction <add>, %dot_general3A_33, %reduce_sum3A_34 [1] : vector<8x1024xf32> to vector<8xf32>
    %broadcast_in_dim3A = vector.shape_cast %reduce_sum3A_35 : vector<8xf32> to vector<8x1xf32>
    %add3A_36 = vector.broadcast %broadcast_in_dim3A : vector<8x1xf32> to vector<8x1024xf32>
    %add3A_37 = arith.addf %dot_general3A_31, %add3A_36 : vector<8x1024xf32>
    %convert_element_type3A_38 = arith.fptosi %add3A_37 : vector<8x1024xf32> to vector<8x1024xi32>
    %le3A_39 = vector.broadcast %sub3A_28 : i32 to vector<8x1024xi32>
    %le3A_40 = arith.cmpi sle, %convert_element_type3A_38, %le3A_39 : vector<8x1024xi32>
    %and3A = arith.andi %eq3A_22, %le3A_40 : vector<8x1024xi1>
    %or3A = arith.ori %gt3A_21, %and3A : vector<8x1024xi1>
    %convert_element_type3A_41 = arith.extui %or3A : vector<8x1024xi1> to vector<8x1024xi32>
    %convert_element_type3A_42 = arith.sitofp %convert_element_type3A_41 : vector<8x1024xi32> to vector<8x1024xf32>
    %dot_general3A_43 = arith.constant dense<0.000000e+00> : vector<8x1024xf32>
    %dot_general3A_44 = tpu.matmul %convert_element_type3A_42, %convert_element_type3A_1, %dot_general3A_43 {dimension_numbers = #tpu.dot_dimension_numbers<[1], [0], [0], [1], [0, 0, 1, 1], [], []>, transpose_lhs_hint = false} : vector<8x1024xf32>, vector<1024x1024xf32>, vector<8x1024xf32> -> vector<8x1024xf32>
    %dot_general3A_45 = arith.constant dense<0.000000e+00> : vector<8x1024xf32>
    %dot_general3A_46 = tpu.matmul %convert_element_type3A_5, %convert_element_type3A_42, %dot_general3A_45 {dimension_numbers = #tpu.dot_dimension_numbers<[1], [0], [0], [1], [0, 0, 1, 1], [], []>, transpose_lhs_hint = false} : vector<8x8xf32>, vector<8x1024xf32>, vector<8x1024xf32> -> vector<8x1024xf32>
    %reduce_sum3A_47 = arith.constant dense<0.000000e+00> : vector<8xf32>
    %reduce_sum3A_48 = vector.multi_reduction <add>, %dot_general3A_46, %reduce_sum3A_47 [1] : vector<8x1024xf32> to vector<8xf32>
    %broadcast_in_dim3A_49 = vector.shape_cast %reduce_sum3A_48 : vector<8xf32> to vector<8x1xf32>
    %add3A_50 = vector.broadcast %broadcast_in_dim3A_49 : vector<8x1xf32> to vector<8x1024xf32>
    %add3A_51 = arith.addf %dot_general3A_44, %add3A_50 : vector<8x1024xf32>
    %convert_element_type3A_52 = arith.fptosi %add3A_51 : vector<8x1024xf32> to vector<8x1024xi32>
    %broadcast_in_dim3A_53 = vector.shape_cast %convert_element_type3A_52 : vector<8x1024xi32> to vector<1x8x1024xi32>
    %add3A_54 = arith.constant 0 : i32
    %add3A_55 = vector.broadcast %add3A_54 : i32 to vector<1024x1x1xi32>
    %add3A_56 = arith.addi %iota3A_6, %add3A_55 : vector<1024x1x1xi32>
    %le3A_57 = vector.broadcast %broadcast_in_dim3A_53 : vector<1x8x1024xi32> to vector<1024x8x1024xi32>
    %le3A_58 = vector.broadcast %add3A_56 : vector<1024x1x1xi32> to vector<1024x8x1024xi32>
    %le3A_59 = arith.cmpi sle, %le3A_57, %le3A_58 : vector<1024x8x1024xi32>
    %convert_element_type3A_60 = arith.extui %le3A_59 : vector<1024x8x1024xi1> to vector<1024x8x1024xi32>
    %reduce_sum3A_61 = arith.constant dense<0> : vector<1024xi32>
    %reduce_sum3A_62 = vector.multi_reduction <add>, %convert_element_type3A_60, %reduce_sum3A_61 [1, 2] : vector<1024x8x1024xi32> to vector<1024xi32>
    %reshape3A = vector.shape_cast %reduce_sum3A_62 : vector<1024xi32> to vector<1024x1xi32>
    %add3A_63 = arith.constant 0 : i32
    %add3A_64 = vector.broadcast %add3A_63 : i32 to vector<1024x1xi32>
    %add3A_65 = arith.addi %reshape3A, %add3A_64 : vector<1024x1xi32>
    %swap3A = arith.constant 0 : index
    %swap3A_66 = arith.constant 0 : index
    %swap3A_67 = vector.load %arg1[%swap3A, %swap3A_66] : memref<16384x1xi32, #tpu.memory_space<vmem>>, vector<1024x1xi32>
    tpu.vector_store %arg1[%swap3A, %swap3A_66], %add3A_65 {strides = array<i32>} : memref<16384x1xi32, #tpu.memory_space<vmem>>, vector<1024x1xi32>,
    %add3A_68 = arith.constant 1024 : i32
    %add3A_69 = vector.broadcast %add3A_68 : i32 to vector<1024x1x1xi32>
    %add3A_70 = arith.addi %iota3A_6, %add3A_69 : vector<1024x1x1xi32>
    %le3A_71 = vector.broadcast %broadcast_in_dim3A_53 : vector<1x8x1024xi32> to vector<1024x8x1024xi32>
    %le3A_72 = vector.broadcast %add3A_70 : vector<1024x1x1xi32> to vector<1024x8x1024xi32>
    %le3A_73 = arith.cmpi sle, %le3A_71, %le3A_72 : vector<1024x8x1024xi32>
    %convert_element_type3A_74 = arith.extui %le3A_73 : vector<1024x8x1024xi1> to vector<1024x8x1024xi32>
    %reduce_sum3A_75 = arith.constant dense<0> : vector<1024xi32>
    %reduce_sum3A_76 = vector.multi_reduction <add>, %convert_element_type3A_74, %reduce_sum3A_75 [1, 2] : vector<1024x8x1024xi32> to vector<1024xi32>
    %reshape3A_77 = vector.shape_cast %reduce_sum3A_76 : vector<1024xi32> to vector<1024x1xi32>
    %add3A_78 = arith.constant 0 : i32
    %add3A_79 = vector.broadcast %add3A_78 : i32 to vector<1024x1xi32>
    %add3A_80 = arith.addi %reshape3A_77, %add3A_79 : vector<1024x1xi32>
    %swap3A_81 = arith.constant 1024 : index
    %swap3A_82 = arith.constant 0 : index
    %swap3A_83 = vector.load %arg1[%swap3A_81, %swap3A_82] : memref<16384x1xi32, #tpu.memory_space<vmem>>, vector<1024x1xi32>
    tpu.vector_store %arg1[%swap3A_81, %swap3A_82], %add3A_80 {strides = array<i32>} : memref<16384x1xi32, #tpu.memory_space<vmem>>, vector<1024x1xi32>,
    %add3A_84 = arith.constant 2048 : i32
    %add3A_85 = vector.broadcast %add3A_84 : i32 to vector<1024x1x1xi32>
    %add3A_86 = arith.addi %iota3A_6, %add3A_85 : vector<1024x1x1xi32>
    %le3A_87 = vector.broadcast %broadcast_in_dim3A_53 : vector<1x8x1024xi32> to vector<1024x8x1024xi32>
    %le3A_88 = vector.broadcast %add3A_86 : vector<1024x1x1xi32> to vector<1024x8x1024xi32>
    %le3A_89 = arith.cmpi sle, %le3A_87, %le3A_88 : vector<1024x8x1024xi32>
    %convert_element_type3A_90 = arith.extui %le3A_89 : vector<1024x8x1024xi1> to vector<1024x8x1024xi32>
    %reduce_sum3A_91 = arith.constant dense<0> : vector<1024xi32>
    %reduce_sum3A_92 = vector.multi_reduction <add>, %convert_element_type3A_90, %reduce_sum3A_91 [1, 2] : vector<1024x8x1024xi32> to vector<1024xi32>
    %reshape3A_93 = vector.shape_cast %reduce_sum3A_92 : vector<1024xi32> to vector<1024x1xi32>
    %add3A_94 = arith.constant 0 : i32
    %add3A_95 = vector.broadcast %add3A_94 : i32 to vector<1024x1xi32>
    %add3A_96 = arith.addi %reshape3A_93, %add3A_95 : vector<1024x1xi32>
    %swap3A_97 = arith.constant 2048 : index
    %swap3A_98 = arith.constant 0 : index
    %swap3A_99 = vector.load %arg1[%swap3A_97, %swap3A_98] : memref<16384x1xi32, #tpu.memory_space<vmem>>, vector<1024x1xi32>
    tpu.vector_store %arg1[%swap3A_97, %swap3A_98], %add3A_96 {strides = array<i32>} : memref<16384x1xi32, #tpu.memory_space<vmem>>, vector<1024x1xi32>,
    %add3A_100 = arith.constant 3072 : i32
    %add3A_101 = vector.broadcast %add3A_100 : i32 to vector<1024x1x1xi32>
    %add3A_102 = arith.addi %iota3A_6, %add3A_101 : vector<1024x1x1xi32>
    %le3A_103 = vector.broadcast %broadcast_in_dim3A_53 : vector<1x8x1024xi32> to vector<1024x8x1024xi32>
    %le3A_104 = vector.broadcast %add3A_102 : vector<1024x1x1xi32> to vector<1024x8x1024xi32>
    %le3A_105 = arith.cmpi sle, %le3A_103, %le3A_104 : vector<1024x8x1024xi32>
    %convert_element_type3A_106 = arith.extui %le3A_105 : vector<1024x8x1024xi1> to vector<1024x8x1024xi32>
    %reduce_sum3A_107 = arith.constant dense<0> : vector<1024xi32>
    %reduce_sum3A_108 = vector.multi_reduction <add>, %convert_element_type3A_106, %reduce_sum3A_107 [1, 2] : vector<1024x8x1024xi32> to vector<1024xi32>
    %reshape3A_109 = vector.shape_cast %reduce_sum3A_108 : vector<1024xi32> to vector<1024x1xi32>
    %add3A_110 = arith.constant 0 : i32
    %add3A_111 = vector.broadcast %add3A_110 : i32 to vector<1024x1xi32>
    %add3A_112 = arith.addi %reshape3A_109, %add3A_111 : vector<1024x1xi32>
    %swap3A_113 = arith.constant 3072 : index
    %swap3A_114 = arith.constant 0 : index
    %swap3A_115 = vector.load %arg1[%swap3A_113, %swap3A_114] : memref<16384x1xi32, #tpu.memory_space<vmem>>, vector<1024x1xi32>
    tpu.vector_store %arg1[%swap3A_113, %swap3A_114], %add3A_112 {strides = array<i32>} : memref<16384x1xi32, #tpu.memory_space<vmem>>, vector<1024x1xi32>,
    %get3A_116 = arith.constant 8 : index
    %get3A_117 = arith.constant 0 : index
    %get3A_118 = vector.load %arg0[%get3A_116, %get3A_117] : memref<32x1024xf32, #tpu.memory_space<vmem>>, vector<8x1024xf32>
    %bitcast_convert_type3A_119 = tpu.bitcast %get3A_118 : vector<8x1024xf32> -> vector<8x1024xi32>
    %shift_right_logical3A_120 = arith.constant 31 : i32
    %shift_right_logical3A_121 = vector.broadcast %shift_right_logical3A_120 : i32 to vector<8x1024xi32>
    %shift_right_logical3A_122 = arith.shrui %bitcast_convert_type3A_119, %shift_right_logical3A_121 : vector<8x1024xi32>
    %mul3A_123 = arith.constant 2147483647 : i32
    %mul3A_124 = vector.broadcast %mul3A_123 : i32 to vector<8x1024xi32>
    %mul3A_125 = arith.muli %shift_right_logical3A_122, %mul3A_124 : vector<8x1024xi32>
    %add3A_126 = arith.constant -2147483648 : i32
    %add3A_127 = vector.broadcast %add3A_126 : i32 to vector<8x1024xi32>
    %add3A_128 = arith.addi %add3A_127, %mul3A_125 : vector<8x1024xi32>
    %xor3A_129 = arith.xori %bitcast_convert_type3A_119, %add3A_128 : vector<8x1024xi32>
    %scan3A_130 = arith.constant 0 : i32
    %scan3A_131 = arith.constant 0 : i32
    %scan3A_132 = arith.constant 32 : i32
    %scan3A_133 = arith.addi %scan3A_131, %scan3A_132 : i32
    %scan3A_134 = arith.constant 1 : i32
    %scan3A_135 = scf.for %scan3A_494 = %scan3A_131 to %scan3A_133 step %scan3A_134 iter_args(%scan3A_495 = %scan3A_130) -> (i32)  : i32 {
      %sub3A_496 = arith.constant 31 : i32
      %sub3A_497 = arith.subi %sub3A_496, %scan3A_494 : i32
      %shift_left3A = arith.constant 1 : i32
      %shift_left3A_498 = arith.shli %shift_left3A, %sub3A_497 : i32
      %or3A_499 = arith.ori %scan3A_495, %shift_left3A_498 : i32
      %ge3A = vector.broadcast %or3A_499 : i32 to vector<8x1024xi32>
      %ge3A_500 = arith.cmpi uge, %xor3A_129, %ge3A : vector<8x1024xi32>
      %convert_element_type3A_501 = arith.extui %ge3A_500 : vector<8x1024xi1> to vector<8x1024xi32>
      %reduce_sum3A_502 = vector.shape_cast %convert_element_type3A_501 : vector<8x1024xi32> to vector<1x8x1024xi32>
      %reduce_sum3A_503 = arith.constant dense<0> : vector<1xi32>
      %reduce_sum3A_504 = vector.multi_reduction <add>, %reduce_sum3A_502, %reduce_sum3A_503 [1, 2] : vector<1x8x1024xi32> to vector<1xi32>
      %reduce_sum3A_505 = vector.shape_cast %reduce_sum3A_504 : vector<1xi32> to vector<1x1x1xi32>
      %reduce_sum3A_506 = vector.extract %reduce_sum3A_505[0, 0, 0] : i32 from vector<1x1x1xi32>
      %ge3A_507 = arith.constant 4096 : i32
      %ge3A_508 = arith.cmpi sge, %reduce_sum3A_506, %ge3A_507 : i32
      %select_n3A = arith.select %ge3A_508, %or3A_499, %scan3A_495 : i32
      scf.yield %select_n3A : i32
    }
    %scan3A_136 = arith.constant 32 : i32
    %gt3A_137 = vector.broadcast %scan3A_135 : i32 to vector<8x1024xi32>
    %gt3A_138 = arith.cmpi ugt, %xor3A_129, %gt3A_137 : vector<8x1024xi32>
    %eq3A_139 = vector.broadcast %scan3A_135 : i32 to vector<8x1024xi32>
    %eq3A_140 = arith.cmpi eq, %xor3A_129, %eq3A_139 : vector<8x1024xi32>
    %convert_element_type3A_141 = arith.extui %gt3A_138 : vector<8x1024xi1> to vector<8x1024xi32>
    %reduce_sum3A_142 = vector.shape_cast %convert_element_type3A_141 : vector<8x1024xi32> to vector<1x8x1024xi32>
    %reduce_sum3A_143 = arith.constant dense<0> : vector<1xi32>
    %reduce_sum3A_144 = vector.multi_reduction <add>, %reduce_sum3A_142, %reduce_sum3A_143 [1, 2] : vector<1x8x1024xi32> to vector<1xi32>
    %reduce_sum3A_145 = vector.shape_cast %reduce_sum3A_144 : vector<1xi32> to vector<1x1x1xi32>
    %reduce_sum3A_146 = vector.extract %reduce_sum3A_145[0, 0, 0] : i32 from vector<1x1x1xi32>
    %sub3A_147 = arith.constant 4096 : i32
    %sub3A_148 = arith.subi %sub3A_147, %reduce_sum3A_146 : i32
    %convert_element_type3A_149 = arith.extui %eq3A_140 : vector<8x1024xi1> to vector<8x1024xi32>
    %convert_element_type3A_150 = arith.sitofp %convert_element_type3A_149 : vector<8x1024xi32> to vector<8x1024xf32>
    %dot_general3A_151 = arith.constant dense<0.000000e+00> : vector<8x1024xf32>
    %dot_general3A_152 = tpu.matmul %convert_element_type3A_150, %convert_element_type3A_1, %dot_general3A_151 {dimension_numbers = #tpu.dot_dimension_numbers<[1], [0], [0], [1], [0, 0, 1, 1], [], []>, transpose_lhs_hint = false} : vector<8x1024xf32>, vector<1024x1024xf32>, vector<8x1024xf32> -> vector<8x1024xf32>
    %dot_general3A_153 = arith.constant dense<0.000000e+00> : vector<8x1024xf32>
    %dot_general3A_154 = tpu.matmul %convert_element_type3A_5, %convert_element_type3A_150, %dot_general3A_153 {dimension_numbers = #tpu.dot_dimension_numbers<[1], [0], [0], [1], [0, 0, 1, 1], [], []>, transpose_lhs_hint = false} : vector<8x8xf32>, vector<8x1024xf32>, vector<8x1024xf32> -> vector<8x1024xf32>
    %reduce_sum3A_155 = arith.constant dense<0.000000e+00> : vector<8xf32>
    %reduce_sum3A_156 = vector.multi_reduction <add>, %dot_general3A_154, %reduce_sum3A_155 [1] : vector<8x1024xf32> to vector<8xf32>
    %broadcast_in_dim3A_157 = vector.shape_cast %reduce_sum3A_156 : vector<8xf32> to vector<8x1xf32>
    %add3A_158 = vector.broadcast %broadcast_in_dim3A_157 : vector<8x1xf32> to vector<8x1024xf32>
    %add3A_159 = arith.addf %dot_general3A_152, %add3A_158 : vector<8x1024xf32>
    %convert_element_type3A_160 = arith.fptosi %add3A_159 : vector<8x1024xf32> to vector<8x1024xi32>
    %le3A_161 = vector.broadcast %sub3A_148 : i32 to vector<8x1024xi32>
    %le3A_162 = arith.cmpi sle, %convert_element_type3A_160, %le3A_161 : vector<8x1024xi32>
    %and3A_163 = arith.andi %eq3A_140, %le3A_162 : vector<8x1024xi1>
    %or3A_164 = arith.ori %gt3A_138, %and3A_163 : vector<8x1024xi1>
    %convert_element_type3A_165 = arith.extui %or3A_164 : vector<8x1024xi1> to vector<8x1024xi32>
    %convert_element_type3A_166 = arith.sitofp %convert_element_type3A_165 : vector<8x1024xi32> to vector<8x1024xf32>
    %dot_general3A_167 = arith.constant dense<0.000000e+00> : vector<8x1024xf32>
    %dot_general3A_168 = tpu.matmul %convert_element_type3A_166, %convert_element_type3A_1, %dot_general3A_167 {dimension_numbers = #tpu.dot_dimension_numbers<[1], [0], [0], [1], [0, 0, 1, 1], [], []>, transpose_lhs_hint = false} : vector<8x1024xf32>, vector<1024x1024xf32>, vector<8x1024xf32> -> vector<8x1024xf32>
    %dot_general3A_169 = arith.constant dense<0.000000e+00> : vector<8x1024xf32>
    %dot_general3A_170 = tpu.matmul %convert_element_type3A_5, %convert_element_type3A_166, %dot_general3A_169 {dimension_numbers = #tpu.dot_dimension_numbers<[1], [0], [0], [1], [0, 0, 1, 1], [], []>, transpose_lhs_hint = false} : vector<8x8xf32>, vector<8x1024xf32>, vector<8x1024xf32> -> vector<8x1024xf32>
    %reduce_sum3A_171 = arith.constant dense<0.000000e+00> : vector<8xf32>
    %reduce_sum3A_172 = vector.multi_reduction <add>, %dot_general3A_170, %reduce_sum3A_171 [1] : vector<8x1024xf32> to vector<8xf32>
    %broadcast_in_dim3A_173 = vector.shape_cast %reduce_sum3A_172 : vector<8xf32> to vector<8x1xf32>
    %add3A_174 = vector.broadcast %broadcast_in_dim3A_173 : vector<8x1xf32> to vector<8x1024xf32>
    %add3A_175 = arith.addf %dot_general3A_168, %add3A_174 : vector<8x1024xf32>
    %convert_element_type3A_176 = arith.fptosi %add3A_175 : vector<8x1024xf32> to vector<8x1024xi32>
    %broadcast_in_dim3A_177 = vector.shape_cast %convert_element_type3A_176 : vector<8x1024xi32> to vector<1x8x1024xi32>
    %add3A_178 = arith.constant 0 : i32
    %add3A_179 = vector.broadcast %add3A_178 : i32 to vector<1024x1x1xi32>
    %add3A_180 = arith.addi %iota3A_6, %add3A_179 : vector<1024x1x1xi32>
    %le3A_181 = vector.broadcast %broadcast_in_dim3A_177 : vector<1x8x1024xi32> to vector<1024x8x1024xi32>
    %le3A_182 = vector.broadcast %add3A_180 : vector<1024x1x1xi32> to vector<1024x8x1024xi32>
    %le3A_183 = arith.cmpi sle, %le3A_181, %le3A_182 : vector<1024x8x1024xi32>
    %convert_element_type3A_184 = arith.extui %le3A_183 : vector<1024x8x1024xi1> to vector<1024x8x1024xi32>
    %reduce_sum3A_185 = arith.constant dense<0> : vector<1024xi32>
    %reduce_sum3A_186 = vector.multi_reduction <add>, %convert_element_type3A_184, %reduce_sum3A_185 [1, 2] : vector<1024x8x1024xi32> to vector<1024xi32>
    %reshape3A_187 = vector.shape_cast %reduce_sum3A_186 : vector<1024xi32> to vector<1024x1xi32>
    %add3A_188 = arith.constant 8192 : i32
    %add3A_189 = vector.broadcast %add3A_188 : i32 to vector<1024x1xi32>
    %add3A_190 = arith.addi %reshape3A_187, %add3A_189 : vector<1024x1xi32>
    %swap3A_191 = arith.constant 4096 : index
    %swap3A_192 = arith.constant 0 : index
    %swap3A_193 = vector.load %arg1[%swap3A_191, %swap3A_192] : memref<16384x1xi32, #tpu.memory_space<vmem>>, vector<1024x1xi32>
    tpu.vector_store %arg1[%swap3A_191, %swap3A_192], %add3A_190 {strides = array<i32>} : memref<16384x1xi32, #tpu.memory_space<vmem>>, vector<1024x1xi32>,
    %add3A_194 = arith.constant 1024 : i32
    %add3A_195 = vector.broadcast %add3A_194 : i32 to vector<1024x1x1xi32>
    %add3A_196 = arith.addi %iota3A_6, %add3A_195 : vector<1024x1x1xi32>
    %le3A_197 = vector.broadcast %broadcast_in_dim3A_177 : vector<1x8x1024xi32> to vector<1024x8x1024xi32>
    %le3A_198 = vector.broadcast %add3A_196 : vector<1024x1x1xi32> to vector<1024x8x1024xi32>
    %le3A_199 = arith.cmpi sle, %le3A_197, %le3A_198 : vector<1024x8x1024xi32>
    %convert_element_type3A_200 = arith.extui %le3A_199 : vector<1024x8x1024xi1> to vector<1024x8x1024xi32>
    %reduce_sum3A_201 = arith.constant dense<0> : vector<1024xi32>
    %reduce_sum3A_202 = vector.multi_reduction <add>, %convert_element_type3A_200, %reduce_sum3A_201 [1, 2] : vector<1024x8x1024xi32> to vector<1024xi32>
    %reshape3A_203 = vector.shape_cast %reduce_sum3A_202 : vector<1024xi32> to vector<1024x1xi32>
    %add3A_204 = arith.constant 8192 : i32
    %add3A_205 = vector.broadcast %add3A_204 : i32 to vector<1024x1xi32>
    %add3A_206 = arith.addi %reshape3A_203, %add3A_205 : vector<1024x1xi32>
    %swap3A_207 = arith.constant 5120 : index
    %swap3A_208 = arith.constant 0 : index
    %swap3A_209 = vector.load %arg1[%swap3A_207, %swap3A_208] : memref<16384x1xi32, #tpu.memory_space<vmem>>, vector<1024x1xi32>
    tpu.vector_store %arg1[%swap3A_207, %swap3A_208], %add3A_206 {strides = array<i32>} : memref<16384x1xi32, #tpu.memory_space<vmem>>, vector<1024x1xi32>,
    %add3A_210 = arith.constant 2048 : i32
    %add3A_211 = vector.broadcast %add3A_210 : i32 to vector<1024x1x1xi32>
    %add3A_212 = arith.addi %iota3A_6, %add3A_211 : vector<1024x1x1xi32>
    %le3A_213 = vector.broadcast %broadcast_in_dim3A_177 : vector<1x8x1024xi32> to vector<1024x8x1024xi32>
    %le3A_214 = vector.broadcast %add3A_212 : vector<1024x1x1xi32> to vector<1024x8x1024xi32>
    %le3A_215 = arith.cmpi sle, %le3A_213, %le3A_214 : vector<1024x8x1024xi32>
    %convert_element_type3A_216 = arith.extui %le3A_215 : vector<1024x8x1024xi1> to vector<1024x8x1024xi32>
    %reduce_sum3A_217 = arith.constant dense<0> : vector<1024xi32>
    %reduce_sum3A_218 = vector.multi_reduction <add>, %convert_element_type3A_216, %reduce_sum3A_217 [1, 2] : vector<1024x8x1024xi32> to vector<1024xi32>
    %reshape3A_219 = vector.shape_cast %reduce_sum3A_218 : vector<1024xi32> to vector<1024x1xi32>
    %add3A_220 = arith.constant 8192 : i32
    %add3A_221 = vector.broadcast %add3A_220 : i32 to vector<1024x1xi32>
    %add3A_222 = arith.addi %reshape3A_219, %add3A_221 : vector<1024x1xi32>
    %swap3A_223 = arith.constant 6144 : index
    %swap3A_224 = arith.constant 0 : index
    %swap3A_225 = vector.load %arg1[%swap3A_223, %swap3A_224] : memref<16384x1xi32, #tpu.memory_space<vmem>>, vector<1024x1xi32>
    tpu.vector_store %arg1[%swap3A_223, %swap3A_224], %add3A_222 {strides = array<i32>} : memref<16384x1xi32, #tpu.memory_space<vmem>>, vector<1024x1xi32>,
    %add3A_226 = arith.constant 3072 : i32
    %add3A_227 = vector.broadcast %add3A_226 : i32 to vector<1024x1x1xi32>
    %add3A_228 = arith.addi %iota3A_6, %add3A_227 : vector<1024x1x1xi32>
    %le3A_229 = vector.broadcast %broadcast_in_dim3A_177 : vector<1x8x1024xi32> to vector<1024x8x1024xi32>
    %le3A_230 = vector.broadcast %add3A_228 : vector<1024x1x1xi32> to vector<1024x8x1024xi32>
    %le3A_231 = arith.cmpi sle, %le3A_229, %le3A_230 : vector<1024x8x1024xi32>
    %convert_element_type3A_232 = arith.extui %le3A_231 : vector<1024x8x1024xi1> to vector<1024x8x1024xi32>
    %reduce_sum3A_233 = arith.constant dense<0> : vector<1024xi32>
    %reduce_sum3A_234 = vector.multi_reduction <add>, %convert_element_type3A_232, %reduce_sum3A_233 [1, 2] : vector<1024x8x1024xi32> to vector<1024xi32>
    %reshape3A_235 = vector.shape_cast %reduce_sum3A_234 : vector<1024xi32> to vector<1024x1xi32>
    %add3A_236 = arith.constant 8192 : i32
    %add3A_237 = vector.broadcast %add3A_236 : i32 to vector<1024x1xi32>
    %add3A_238 = arith.addi %reshape3A_235, %add3A_237 : vector<1024x1xi32>
    %swap3A_239 = arith.constant 7168 : index
    %swap3A_240 = arith.constant 0 : index
    %swap3A_241 = vector.load %arg1[%swap3A_239, %swap3A_240] : memref<16384x1xi32, #tpu.memory_space<vmem>>, vector<1024x1xi32>
    tpu.vector_store %arg1[%swap3A_239, %swap3A_240], %add3A_238 {strides = array<i32>} : memref<16384x1xi32, #tpu.memory_space<vmem>>, vector<1024x1xi32>,
    %get3A_242 = arith.constant 16 : index
    %get3A_243 = arith.constant 0 : index
    %get3A_244 = vector.load %arg0[%get3A_242, %get3A_243] : memref<32x1024xf32, #tpu.memory_space<vmem>>, vector<8x1024xf32>
    %bitcast_convert_type3A_245 = tpu.bitcast %get3A_244 : vector<8x1024xf32> -> vector<8x1024xi32>
    %shift_right_logical3A_246 = arith.constant 31 : i32
    %shift_right_logical3A_247 = vector.broadcast %shift_right_logical3A_246 : i32 to vector<8x1024xi32>
    %shift_right_logical3A_248 = arith.shrui %bitcast_convert_type3A_245, %shift_right_logical3A_247 : vector<8x1024xi32>
    %mul3A_249 = arith.constant 2147483647 : i32
    %mul3A_250 = vector.broadcast %mul3A_249 : i32 to vector<8x1024xi32>
    %mul3A_251 = arith.muli %shift_right_logical3A_248, %mul3A_250 : vector<8x1024xi32>
    %add3A_252 = arith.constant -2147483648 : i32
    %add3A_253 = vector.broadcast %add3A_252 : i32 to vector<8x1024xi32>
    %add3A_254 = arith.addi %add3A_253, %mul3A_251 : vector<8x1024xi32>
    %xor3A_255 = arith.xori %bitcast_convert_type3A_245, %add3A_254 : vector<8x1024xi32>
    %scan3A_256 = arith.constant 0 : i32
    %scan3A_257 = arith.constant 0 : i32
    %scan3A_258 = arith.constant 32 : i32
    %scan3A_259 = arith.addi %scan3A_257, %scan3A_258 : i32
    %scan3A_260 = arith.constant 1 : i32
    %scan3A_261 = scf.for %scan3A_494 = %scan3A_257 to %scan3A_259 step %scan3A_260 iter_args(%scan3A_495 = %scan3A_256) -> (i32)  : i32 {
      %sub3A_496 = arith.constant 31 : i32
      %sub3A_497 = arith.subi %sub3A_496, %scan3A_494 : i32
      %shift_left3A = arith.constant 1 : i32
      %shift_left3A_498 = arith.shli %shift_left3A, %sub3A_497 : i32
      %or3A_499 = arith.ori %scan3A_495, %shift_left3A_498 : i32
      %ge3A = vector.broadcast %or3A_499 : i32 to vector<8x1024xi32>
      %ge3A_500 = arith.cmpi uge, %xor3A_255, %ge3A : vector<8x1024xi32>
      %convert_element_type3A_501 = arith.extui %ge3A_500 : vector<8x1024xi1> to vector<8x1024xi32>
      %reduce_sum3A_502 = vector.shape_cast %convert_element_type3A_501 : vector<8x1024xi32> to vector<1x8x1024xi32>
      %reduce_sum3A_503 = arith.constant dense<0> : vector<1xi32>
      %reduce_sum3A_504 = vector.multi_reduction <add>, %reduce_sum3A_502, %reduce_sum3A_503 [1, 2] : vector<1x8x1024xi32> to vector<1xi32>
      %reduce_sum3A_505 = vector.shape_cast %reduce_sum3A_504 : vector<1xi32> to vector<1x1x1xi32>
      %reduce_sum3A_506 = vector.extract %reduce_sum3A_505[0, 0, 0] : i32 from vector<1x1x1xi32>
      %ge3A_507 = arith.constant 4096 : i32
      %ge3A_508 = arith.cmpi sge, %reduce_sum3A_506, %ge3A_507 : i32
      %select_n3A = arith.select %ge3A_508, %or3A_499, %scan3A_495 : i32
      scf.yield %select_n3A : i32
    }
    %scan3A_262 = arith.constant 32 : i32
    %gt3A_263 = vector.broadcast %scan3A_261 : i32 to vector<8x1024xi32>
    %gt3A_264 = arith.cmpi ugt, %xor3A_255, %gt3A_263 : vector<8x1024xi32>
    %eq3A_265 = vector.broadcast %scan3A_261 : i32 to vector<8x1024xi32>
    %eq3A_266 = arith.cmpi eq, %xor3A_255, %eq3A_265 : vector<8x1024xi32>
    %convert_element_type3A_267 = arith.extui %gt3A_264 : vector<8x1024xi1> to vector<8x1024xi32>
    %reduce_sum3A_268 = vector.shape_cast %convert_element_type3A_267 : vector<8x1024xi32> to vector<1x8x1024xi32>
    %reduce_sum3A_269 = arith.constant dense<0> : vector<1xi32>
    %reduce_sum3A_270 = vector.multi_reduction <add>, %reduce_sum3A_268, %reduce_sum3A_269 [1, 2] : vector<1x8x1024xi32> to vector<1xi32>
    %reduce_sum3A_271 = vector.shape_cast %reduce_sum3A_270 : vector<1xi32> to vector<1x1x1xi32>
    %reduce_sum3A_272 = vector.extract %reduce_sum3A_271[0, 0, 0] : i32 from vector<1x1x1xi32>
    %sub3A_273 = arith.constant 4096 : i32
    %sub3A_274 = arith.subi %sub3A_273, %reduce_sum3A_272 : i32
    %convert_element_type3A_275 = arith.extui %eq3A_266 : vector<8x1024xi1> to vector<8x1024xi32>
    %convert_element_type3A_276 = arith.sitofp %convert_element_type3A_275 : vector<8x1024xi32> to vector<8x1024xf32>
    %dot_general3A_277 = arith.constant dense<0.000000e+00> : vector<8x1024xf32>
    %dot_general3A_278 = tpu.matmul %convert_element_type3A_276, %convert_element_type3A_1, %dot_general3A_277 {dimension_numbers = #tpu.dot_dimension_numbers<[1], [0], [0], [1], [0, 0, 1, 1], [], []>, transpose_lhs_hint = false} : vector<8x1024xf32>, vector<1024x1024xf32>, vector<8x1024xf32> -> vector<8x1024xf32>
    %dot_general3A_279 = arith.constant dense<0.000000e+00> : vector<8x1024xf32>
    %dot_general3A_280 = tpu.matmul %convert_element_type3A_5, %convert_element_type3A_276, %dot_general3A_279 {dimension_numbers = #tpu.dot_dimension_numbers<[1], [0], [0], [1], [0, 0, 1, 1], [], []>, transpose_lhs_hint = false} : vector<8x8xf32>, vector<8x1024xf32>, vector<8x1024xf32> -> vector<8x1024xf32>
    %reduce_sum3A_281 = arith.constant dense<0.000000e+00> : vector<8xf32>
    %reduce_sum3A_282 = vector.multi_reduction <add>, %dot_general3A_280, %reduce_sum3A_281 [1] : vector<8x1024xf32> to vector<8xf32>
    %broadcast_in_dim3A_283 = vector.shape_cast %reduce_sum3A_282 : vector<8xf32> to vector<8x1xf32>
    %add3A_284 = vector.broadcast %broadcast_in_dim3A_283 : vector<8x1xf32> to vector<8x1024xf32>
    %add3A_285 = arith.addf %dot_general3A_278, %add3A_284 : vector<8x1024xf32>
    %convert_element_type3A_286 = arith.fptosi %add3A_285 : vector<8x1024xf32> to vector<8x1024xi32>
    %le3A_287 = vector.broadcast %sub3A_274 : i32 to vector<8x1024xi32>
    %le3A_288 = arith.cmpi sle, %convert_element_type3A_286, %le3A_287 : vector<8x1024xi32>
    %and3A_289 = arith.andi %eq3A_266, %le3A_288 : vector<8x1024xi1>
    %or3A_290 = arith.ori %gt3A_264, %and3A_289 : vector<8x1024xi1>
    %convert_element_type3A_291 = arith.extui %or3A_290 : vector<8x1024xi1> to vector<8x1024xi32>
    %convert_element_type3A_292 = arith.sitofp %convert_element_type3A_291 : vector<8x1024xi32> to vector<8x1024xf32>
    %dot_general3A_293 = arith.constant dense<0.000000e+00> : vector<8x1024xf32>
    %dot_general3A_294 = tpu.matmul %convert_element_type3A_292, %convert_element_type3A_1, %dot_general3A_293 {dimension_numbers = #tpu.dot_dimension_numbers<[1], [0], [0], [1], [0, 0, 1, 1], [], []>, transpose_lhs_hint = false} : vector<8x1024xf32>, vector<1024x1024xf32>, vector<8x1024xf32> -> vector<8x1024xf32>
    %dot_general3A_295 = arith.constant dense<0.000000e+00> : vector<8x1024xf32>
    %dot_general3A_296 = tpu.matmul %convert_element_type3A_5, %convert_element_type3A_292, %dot_general3A_295 {dimension_numbers = #tpu.dot_dimension_numbers<[1], [0], [0], [1], [0, 0, 1, 1], [], []>, transpose_lhs_hint = false} : vector<8x8xf32>, vector<8x1024xf32>, vector<8x1024xf32> -> vector<8x1024xf32>
    %reduce_sum3A_297 = arith.constant dense<0.000000e+00> : vector<8xf32>
    %reduce_sum3A_298 = vector.multi_reduction <add>, %dot_general3A_296, %reduce_sum3A_297 [1] : vector<8x1024xf32> to vector<8xf32>
    %broadcast_in_dim3A_299 = vector.shape_cast %reduce_sum3A_298 : vector<8xf32> to vector<8x1xf32>
    %add3A_300 = vector.broadcast %broadcast_in_dim3A_299 : vector<8x1xf32> to vector<8x1024xf32>
    %add3A_301 = arith.addf %dot_general3A_294, %add3A_300 : vector<8x1024xf32>
    %convert_element_type3A_302 = arith.fptosi %add3A_301 : vector<8x1024xf32> to vector<8x1024xi32>
    %broadcast_in_dim3A_303 = vector.shape_cast %convert_element_type3A_302 : vector<8x1024xi32> to vector<1x8x1024xi32>
    %add3A_304 = arith.constant 0 : i32
    %add3A_305 = vector.broadcast %add3A_304 : i32 to vector<1024x1x1xi32>
    %add3A_306 = arith.addi %iota3A_6, %add3A_305 : vector<1024x1x1xi32>
    %le3A_307 = vector.broadcast %broadcast_in_dim3A_303 : vector<1x8x1024xi32> to vector<1024x8x1024xi32>
    %le3A_308 = vector.broadcast %add3A_306 : vector<1024x1x1xi32> to vector<1024x8x1024xi32>
    %le3A_309 = arith.cmpi sle, %le3A_307, %le3A_308 : vector<1024x8x1024xi32>
    %convert_element_type3A_310 = arith.extui %le3A_309 : vector<1024x8x1024xi1> to vector<1024x8x1024xi32>
    %reduce_sum3A_311 = arith.constant dense<0> : vector<1024xi32>
    %reduce_sum3A_312 = vector.multi_reduction <add>, %convert_element_type3A_310, %reduce_sum3A_311 [1, 2] : vector<1024x8x1024xi32> to vector<1024xi32>
    %reshape3A_313 = vector.shape_cast %reduce_sum3A_312 : vector<1024xi32> to vector<1024x1xi32>
    %add3A_314 = arith.constant 16384 : i32
    %add3A_315 = vector.broadcast %add3A_314 : i32 to vector<1024x1xi32>
    %add3A_316 = arith.addi %reshape3A_313, %add3A_315 : vector<1024x1xi32>
    %swap3A_317 = arith.constant 8192 : index
    %swap3A_318 = arith.constant 0 : index
    %swap3A_319 = vector.load %arg1[%swap3A_317, %swap3A_318] : memref<16384x1xi32, #tpu.memory_space<vmem>>, vector<1024x1xi32>
    tpu.vector_store %arg1[%swap3A_317, %swap3A_318], %add3A_316 {strides = array<i32>} : memref<16384x1xi32, #tpu.memory_space<vmem>>, vector<1024x1xi32>,
    %add3A_320 = arith.constant 1024 : i32
    %add3A_321 = vector.broadcast %add3A_320 : i32 to vector<1024x1x1xi32>
    %add3A_322 = arith.addi %iota3A_6, %add3A_321 : vector<1024x1x1xi32>
    %le3A_323 = vector.broadcast %broadcast_in_dim3A_303 : vector<1x8x1024xi32> to vector<1024x8x1024xi32>
    %le3A_324 = vector.broadcast %add3A_322 : vector<1024x1x1xi32> to vector<1024x8x1024xi32>
    %le3A_325 = arith.cmpi sle, %le3A_323, %le3A_324 : vector<1024x8x1024xi32>
    %convert_element_type3A_326 = arith.extui %le3A_325 : vector<1024x8x1024xi1> to vector<1024x8x1024xi32>
    %reduce_sum3A_327 = arith.constant dense<0> : vector<1024xi32>
    %reduce_sum3A_328 = vector.multi_reduction <add>, %convert_element_type3A_326, %reduce_sum3A_327 [1, 2] : vector<1024x8x1024xi32> to vector<1024xi32>
    %reshape3A_329 = vector.shape_cast %reduce_sum3A_328 : vector<1024xi32> to vector<1024x1xi32>
    %add3A_330 = arith.constant 16384 : i32
    %add3A_331 = vector.broadcast %add3A_330 : i32 to vector<1024x1xi32>
    %add3A_332 = arith.addi %reshape3A_329, %add3A_331 : vector<1024x1xi32>
    %swap3A_333 = arith.constant 9216 : index
    %swap3A_334 = arith.constant 0 : index
    %swap3A_335 = vector.load %arg1[%swap3A_333, %swap3A_334] : memref<16384x1xi32, #tpu.memory_space<vmem>>, vector<1024x1xi32>
    tpu.vector_store %arg1[%swap3A_333, %swap3A_334], %add3A_332 {strides = array<i32>} : memref<16384x1xi32, #tpu.memory_space<vmem>>, vector<1024x1xi32>,
    %add3A_336 = arith.constant 2048 : i32
    %add3A_337 = vector.broadcast %add3A_336 : i32 to vector<1024x1x1xi32>
    %add3A_338 = arith.addi %iota3A_6, %add3A_337 : vector<1024x1x1xi32>
    %le3A_339 = vector.broadcast %broadcast_in_dim3A_303 : vector<1x8x1024xi32> to vector<1024x8x1024xi32>
    %le3A_340 = vector.broadcast %add3A_338 : vector<1024x1x1xi32> to vector<1024x8x1024xi32>
    %le3A_341 = arith.cmpi sle, %le3A_339, %le3A_340 : vector<1024x8x1024xi32>
    %convert_element_type3A_342 = arith.extui %le3A_341 : vector<1024x8x1024xi1> to vector<1024x8x1024xi32>
    %reduce_sum3A_343 = arith.constant dense<0> : vector<1024xi32>
    %reduce_sum3A_344 = vector.multi_reduction <add>, %convert_element_type3A_342, %reduce_sum3A_343 [1, 2] : vector<1024x8x1024xi32> to vector<1024xi32>
    %reshape3A_345 = vector.shape_cast %reduce_sum3A_344 : vector<1024xi32> to vector<1024x1xi32>
    %add3A_346 = arith.constant 16384 : i32
    %add3A_347 = vector.broadcast %add3A_346 : i32 to vector<1024x1xi32>
    %add3A_348 = arith.addi %reshape3A_345, %add3A_347 : vector<1024x1xi32>
    %swap3A_349 = arith.constant 10240 : index
    %swap3A_350 = arith.constant 0 : index
    %swap3A_351 = vector.load %arg1[%swap3A_349, %swap3A_350] : memref<16384x1xi32, #tpu.memory_space<vmem>>, vector<1024x1xi32>
    tpu.vector_store %arg1[%swap3A_349, %swap3A_350], %add3A_348 {strides = array<i32>} : memref<16384x1xi32, #tpu.memory_space<vmem>>, vector<1024x1xi32>,
    %add3A_352 = arith.constant 3072 : i32
    %add3A_353 = vector.broadcast %add3A_352 : i32 to vector<1024x1x1xi32>
    %add3A_354 = arith.addi %iota3A_6, %add3A_353 : vector<1024x1x1xi32>
    %le3A_355 = vector.broadcast %broadcast_in_dim3A_303 : vector<1x8x1024xi32> to vector<1024x8x1024xi32>
    %le3A_356 = vector.broadcast %add3A_354 : vector<1024x1x1xi32> to vector<1024x8x1024xi32>
    %le3A_357 = arith.cmpi sle, %le3A_355, %le3A_356 : vector<1024x8x1024xi32>
    %convert_element_type3A_358 = arith.extui %le3A_357 : vector<1024x8x1024xi1> to vector<1024x8x1024xi32>
    %reduce_sum3A_359 = arith.constant dense<0> : vector<1024xi32>
    %reduce_sum3A_360 = vector.multi_reduction <add>, %convert_element_type3A_358, %reduce_sum3A_359 [1, 2] : vector<1024x8x1024xi32> to vector<1024xi32>
    %reshape3A_361 = vector.shape_cast %reduce_sum3A_360 : vector<1024xi32> to vector<1024x1xi32>
    %add3A_362 = arith.constant 16384 : i32
    %add3A_363 = vector.broadcast %add3A_362 : i32 to vector<1024x1xi32>
    %add3A_364 = arith.addi %reshape3A_361, %add3A_363 : vector<1024x1xi32>
    %swap3A_365 = arith.constant 11264 : index
    %swap3A_366 = arith.constant 0 : index
    %swap3A_367 = vector.load %arg1[%swap3A_365, %swap3A_366] : memref<16384x1xi32, #tpu.memory_space<vmem>>, vector<1024x1xi32>
    tpu.vector_store %arg1[%swap3A_365, %swap3A_366], %add3A_364 {strides = array<i32>} : memref<16384x1xi32, #tpu.memory_space<vmem>>, vector<1024x1xi32>,
    %get3A_368 = arith.constant 24 : index
    %get3A_369 = arith.constant 0 : index
    %get3A_370 = vector.load %arg0[%get3A_368, %get3A_369] : memref<32x1024xf32, #tpu.memory_space<vmem>>, vector<8x1024xf32>
    %bitcast_convert_type3A_371 = tpu.bitcast %get3A_370 : vector<8x1024xf32> -> vector<8x1024xi32>
    %shift_right_logical3A_372 = arith.constant 31 : i32
    %shift_right_logical3A_373 = vector.broadcast %shift_right_logical3A_372 : i32 to vector<8x1024xi32>
    %shift_right_logical3A_374 = arith.shrui %bitcast_convert_type3A_371, %shift_right_logical3A_373 : vector<8x1024xi32>
    %mul3A_375 = arith.constant 2147483647 : i32
    %mul3A_376 = vector.broadcast %mul3A_375 : i32 to vector<8x1024xi32>
    %mul3A_377 = arith.muli %shift_right_logical3A_374, %mul3A_376 : vector<8x1024xi32>
    %add3A_378 = arith.constant -2147483648 : i32
    %add3A_379 = vector.broadcast %add3A_378 : i32 to vector<8x1024xi32>
    %add3A_380 = arith.addi %add3A_379, %mul3A_377 : vector<8x1024xi32>
    %xor3A_381 = arith.xori %bitcast_convert_type3A_371, %add3A_380 : vector<8x1024xi32>
    %scan3A_382 = arith.constant 0 : i32
    %scan3A_383 = arith.constant 0 : i32
    %scan3A_384 = arith.constant 32 : i32
    %scan3A_385 = arith.addi %scan3A_383, %scan3A_384 : i32
    %scan3A_386 = arith.constant 1 : i32
    %scan3A_387 = scf.for %scan3A_494 = %scan3A_383 to %scan3A_385 step %scan3A_386 iter_args(%scan3A_495 = %scan3A_382) -> (i32)  : i32 {
      %sub3A_496 = arith.constant 31 : i32
      %sub3A_497 = arith.subi %sub3A_496, %scan3A_494 : i32
      %shift_left3A = arith.constant 1 : i32
      %shift_left3A_498 = arith.shli %shift_left3A, %sub3A_497 : i32
      %or3A_499 = arith.ori %scan3A_495, %shift_left3A_498 : i32
      %ge3A = vector.broadcast %or3A_499 : i32 to vector<8x1024xi32>
      %ge3A_500 = arith.cmpi uge, %xor3A_381, %ge3A : vector<8x1024xi32>
      %convert_element_type3A_501 = arith.extui %ge3A_500 : vector<8x1024xi1> to vector<8x1024xi32>
      %reduce_sum3A_502 = vector.shape_cast %convert_element_type3A_501 : vector<8x1024xi32> to vector<1x8x1024xi32>
      %reduce_sum3A_503 = arith.constant dense<0> : vector<1xi32>
      %reduce_sum3A_504 = vector.multi_reduction <add>, %reduce_sum3A_502, %reduce_sum3A_503 [1, 2] : vector<1x8x1024xi32> to vector<1xi32>
      %reduce_sum3A_505 = vector.shape_cast %reduce_sum3A_504 : vector<1xi32> to vector<1x1x1xi32>
      %reduce_sum3A_506 = vector.extract %reduce_sum3A_505[0, 0, 0] : i32 from vector<1x1x1xi32>
      %ge3A_507 = arith.constant 4096 : i32
      %ge3A_508 = arith.cmpi sge, %reduce_sum3A_506, %ge3A_507 : i32
      %select_n3A = arith.select %ge3A_508, %or3A_499, %scan3A_495 : i32
      scf.yield %select_n3A : i32
    }
    %scan3A_388 = arith.constant 32 : i32
    %gt3A_389 = vector.broadcast %scan3A_387 : i32 to vector<8x1024xi32>
    %gt3A_390 = arith.cmpi ugt, %xor3A_381, %gt3A_389 : vector<8x1024xi32>
    %eq3A_391 = vector.broadcast %scan3A_387 : i32 to vector<8x1024xi32>
    %eq3A_392 = arith.cmpi eq, %xor3A_381, %eq3A_391 : vector<8x1024xi32>
    %convert_element_type3A_393 = arith.extui %gt3A_390 : vector<8x1024xi1> to vector<8x1024xi32>
    %reduce_sum3A_394 = vector.shape_cast %convert_element_type3A_393 : vector<8x1024xi32> to vector<1x8x1024xi32>
    %reduce_sum3A_395 = arith.constant dense<0> : vector<1xi32>
    %reduce_sum3A_396 = vector.multi_reduction <add>, %reduce_sum3A_394, %reduce_sum3A_395 [1, 2] : vector<1x8x1024xi32> to vector<1xi32>
    %reduce_sum3A_397 = vector.shape_cast %reduce_sum3A_396 : vector<1xi32> to vector<1x1x1xi32>
    %reduce_sum3A_398 = vector.extract %reduce_sum3A_397[0, 0, 0] : i32 from vector<1x1x1xi32>
    %sub3A_399 = arith.constant 4096 : i32
    %sub3A_400 = arith.subi %sub3A_399, %reduce_sum3A_398 : i32
    %convert_element_type3A_401 = arith.extui %eq3A_392 : vector<8x1024xi1> to vector<8x1024xi32>
    %convert_element_type3A_402 = arith.sitofp %convert_element_type3A_401 : vector<8x1024xi32> to vector<8x1024xf32>
    %dot_general3A_403 = arith.constant dense<0.000000e+00> : vector<8x1024xf32>
    %dot_general3A_404 = tpu.matmul %convert_element_type3A_402, %convert_element_type3A_1, %dot_general3A_403 {dimension_numbers = #tpu.dot_dimension_numbers<[1], [0], [0], [1], [0, 0, 1, 1], [], []>, transpose_lhs_hint = false} : vector<8x1024xf32>, vector<1024x1024xf32>, vector<8x1024xf32> -> vector<8x1024xf32>
    %dot_general3A_405 = arith.constant dense<0.000000e+00> : vector<8x1024xf32>
    %dot_general3A_406 = tpu.matmul %convert_element_type3A_5, %convert_element_type3A_402, %dot_general3A_405 {dimension_numbers = #tpu.dot_dimension_numbers<[1], [0], [0], [1], [0, 0, 1, 1], [], []>, transpose_lhs_hint = false} : vector<8x8xf32>, vector<8x1024xf32>, vector<8x1024xf32> -> vector<8x1024xf32>
    %reduce_sum3A_407 = arith.constant dense<0.000000e+00> : vector<8xf32>
    %reduce_sum3A_408 = vector.multi_reduction <add>, %dot_general3A_406, %reduce_sum3A_407 [1] : vector<8x1024xf32> to vector<8xf32>
    %broadcast_in_dim3A_409 = vector.shape_cast %reduce_sum3A_408 : vector<8xf32> to vector<8x1xf32>
    %add3A_410 = vector.broadcast %broadcast_in_dim3A_409 : vector<8x1xf32> to vector<8x1024xf32>
    %add3A_411 = arith.addf %dot_general3A_404, %add3A_410 : vector<8x1024xf32>
    %convert_element_type3A_412 = arith.fptosi %add3A_411 : vector<8x1024xf32> to vector<8x1024xi32>
    %le3A_413 = vector.broadcast %sub3A_400 : i32 to vector<8x1024xi32>
    %le3A_414 = arith.cmpi sle, %convert_element_type3A_412, %le3A_413 : vector<8x1024xi32>
    %and3A_415 = arith.andi %eq3A_392, %le3A_414 : vector<8x1024xi1>
    %or3A_416 = arith.ori %gt3A_390, %and3A_415 : vector<8x1024xi1>
    %convert_element_type3A_417 = arith.extui %or3A_416 : vector<8x1024xi1> to vector<8x1024xi32>
    %convert_element_type3A_418 = arith.sitofp %convert_element_type3A_417 : vector<8x1024xi32> to vector<8x1024xf32>
    %dot_general3A_419 = arith.constant dense<0.000000e+00> : vector<8x1024xf32>
    %dot_general3A_420 = tpu.matmul %convert_element_type3A_418, %convert_element_type3A_1, %dot_general3A_419 {dimension_numbers = #tpu.dot_dimension_numbers<[1], [0], [0], [1], [0, 0, 1, 1], [], []>, transpose_lhs_hint = false} : vector<8x1024xf32>, vector<1024x1024xf32>, vector<8x1024xf32> -> vector<8x1024xf32>
    %dot_general3A_421 = arith.constant dense<0.000000e+00> : vector<8x1024xf32>
    %dot_general3A_422 = tpu.matmul %convert_element_type3A_5, %convert_element_type3A_418, %dot_general3A_421 {dimension_numbers = #tpu.dot_dimension_numbers<[1], [0], [0], [1], [0, 0, 1, 1], [], []>, transpose_lhs_hint = false} : vector<8x8xf32>, vector<8x1024xf32>, vector<8x1024xf32> -> vector<8x1024xf32>
    %reduce_sum3A_423 = arith.constant dense<0.000000e+00> : vector<8xf32>
    %reduce_sum3A_424 = vector.multi_reduction <add>, %dot_general3A_422, %reduce_sum3A_423 [1] : vector<8x1024xf32> to vector<8xf32>
    %broadcast_in_dim3A_425 = vector.shape_cast %reduce_sum3A_424 : vector<8xf32> to vector<8x1xf32>
    %add3A_426 = vector.broadcast %broadcast_in_dim3A_425 : vector<8x1xf32> to vector<8x1024xf32>
    %add3A_427 = arith.addf %dot_general3A_420, %add3A_426 : vector<8x1024xf32>
    %convert_element_type3A_428 = arith.fptosi %add3A_427 : vector<8x1024xf32> to vector<8x1024xi32>
    %broadcast_in_dim3A_429 = vector.shape_cast %convert_element_type3A_428 : vector<8x1024xi32> to vector<1x8x1024xi32>
    %add3A_430 = arith.constant 0 : i32
    %add3A_431 = vector.broadcast %add3A_430 : i32 to vector<1024x1x1xi32>
    %add3A_432 = arith.addi %iota3A_6, %add3A_431 : vector<1024x1x1xi32>
    %le3A_433 = vector.broadcast %broadcast_in_dim3A_429 : vector<1x8x1024xi32> to vector<1024x8x1024xi32>
    %le3A_434 = vector.broadcast %add3A_432 : vector<1024x1x1xi32> to vector<1024x8x1024xi32>
    %le3A_435 = arith.cmpi sle, %le3A_433, %le3A_434 : vector<1024x8x1024xi32>
    %convert_element_type3A_436 = arith.extui %le3A_435 : vector<1024x8x1024xi1> to vector<1024x8x1024xi32>
    %reduce_sum3A_437 = arith.constant dense<0> : vector<1024xi32>
    %reduce_sum3A_438 = vector.multi_reduction <add>, %convert_element_type3A_436, %reduce_sum3A_437 [1, 2] : vector<1024x8x1024xi32> to vector<1024xi32>
    %reshape3A_439 = vector.shape_cast %reduce_sum3A_438 : vector<1024xi32> to vector<1024x1xi32>
    %add3A_440 = arith.constant 24576 : i32
    %add3A_441 = vector.broadcast %add3A_440 : i32 to vector<1024x1xi32>
    %add3A_442 = arith.addi %reshape3A_439, %add3A_441 : vector<1024x1xi32>
    %swap3A_443 = arith.constant 12288 : index
    %swap3A_444 = arith.constant 0 : index
    %swap3A_445 = vector.load %arg1[%swap3A_443, %swap3A_444] : memref<16384x1xi32, #tpu.memory_space<vmem>>, vector<1024x1xi32>
    tpu.vector_store %arg1[%swap3A_443, %swap3A_444], %add3A_442 {strides = array<i32>} : memref<16384x1xi32, #tpu.memory_space<vmem>>, vector<1024x1xi32>,
    %add3A_446 = arith.constant 1024 : i32
    %add3A_447 = vector.broadcast %add3A_446 : i32 to vector<1024x1x1xi32>
    %add3A_448 = arith.addi %iota3A_6, %add3A_447 : vector<1024x1x1xi32>
    %le3A_449 = vector.broadcast %broadcast_in_dim3A_429 : vector<1x8x1024xi32> to vector<1024x8x1024xi32>
    %le3A_450 = vector.broadcast %add3A_448 : vector<1024x1x1xi32> to vector<1024x8x1024xi32>
    %le3A_451 = arith.cmpi sle, %le3A_449, %le3A_450 : vector<1024x8x1024xi32>
    %convert_element_type3A_452 = arith.extui %le3A_451 : vector<1024x8x1024xi1> to vector<1024x8x1024xi32>
    %reduce_sum3A_453 = arith.constant dense<0> : vector<1024xi32>
    %reduce_sum3A_454 = vector.multi_reduction <add>, %convert_element_type3A_452, %reduce_sum3A_453 [1, 2] : vector<1024x8x1024xi32> to vector<1024xi32>
    %reshape3A_455 = vector.shape_cast %reduce_sum3A_454 : vector<1024xi32> to vector<1024x1xi32>
    %add3A_456 = arith.constant 24576 : i32
    %add3A_457 = vector.broadcast %add3A_456 : i32 to vector<1024x1xi32>
    %add3A_458 = arith.addi %reshape3A_455, %add3A_457 : vector<1024x1xi32>
    %swap3A_459 = arith.constant 13312 : index
    %swap3A_460 = arith.constant 0 : index
    %swap3A_461 = vector.load %arg1[%swap3A_459, %swap3A_460] : memref<16384x1xi32, #tpu.memory_space<vmem>>, vector<1024x1xi32>
    tpu.vector_store %arg1[%swap3A_459, %swap3A_460], %add3A_458 {strides = array<i32>} : memref<16384x1xi32, #tpu.memory_space<vmem>>, vector<1024x1xi32>,
    %add3A_462 = arith.constant 2048 : i32
    %add3A_463 = vector.broadcast %add3A_462 : i32 to vector<1024x1x1xi32>
    %add3A_464 = arith.addi %iota3A_6, %add3A_463 : vector<1024x1x1xi32>
    %le3A_465 = vector.broadcast %broadcast_in_dim3A_429 : vector<1x8x1024xi32> to vector<1024x8x1024xi32>
    %le3A_466 = vector.broadcast %add3A_464 : vector<1024x1x1xi32> to vector<1024x8x1024xi32>
    %le3A_467 = arith.cmpi sle, %le3A_465, %le3A_466 : vector<1024x8x1024xi32>
    %convert_element_type3A_468 = arith.extui %le3A_467 : vector<1024x8x1024xi1> to vector<1024x8x1024xi32>
    %reduce_sum3A_469 = arith.constant dense<0> : vector<1024xi32>
    %reduce_sum3A_470 = vector.multi_reduction <add>, %convert_element_type3A_468, %reduce_sum3A_469 [1, 2] : vector<1024x8x1024xi32> to vector<1024xi32>
    %reshape3A_471 = vector.shape_cast %reduce_sum3A_470 : vector<1024xi32> to vector<1024x1xi32>
    %add3A_472 = arith.constant 24576 : i32
    %add3A_473 = vector.broadcast %add3A_472 : i32 to vector<1024x1xi32>
    %add3A_474 = arith.addi %reshape3A_471, %add3A_473 : vector<1024x1xi32>
    %swap3A_475 = arith.constant 14336 : index
    %swap3A_476 = arith.constant 0 : index
    %swap3A_477 = vector.load %arg1[%swap3A_475, %swap3A_476] : memref<16384x1xi32, #tpu.memory_space<vmem>>, vector<1024x1xi32>
    tpu.vector_store %arg1[%swap3A_475, %swap3A_476], %add3A_474 {strides = array<i32>} : memref<16384x1xi32, #tpu.memory_space<vmem>>, vector<1024x1xi32>,
    %add3A_478 = arith.constant 3072 : i32
    %add3A_479 = vector.broadcast %add3A_478 : i32 to vector<1024x1x1xi32>
    %add3A_480 = arith.addi %iota3A_6, %add3A_479 : vector<1024x1x1xi32>
    %le3A_481 = vector.broadcast %broadcast_in_dim3A_429 : vector<1x8x1024xi32> to vector<1024x8x1024xi32>
    %le3A_482 = vector.broadcast %add3A_480 : vector<1024x1x1xi32> to vector<1024x8x1024xi32>
    %le3A_483 = arith.cmpi sle, %le3A_481, %le3A_482 : vector<1024x8x1024xi32>
    %convert_element_type3A_484 = arith.extui %le3A_483 : vector<1024x8x1024xi1> to vector<1024x8x1024xi32>
    %reduce_sum3A_485 = arith.constant dense<0> : vector<1024xi32>
    %reduce_sum3A_486 = vector.multi_reduction <add>, %convert_element_type3A_484, %reduce_sum3A_485 [1, 2] : vector<1024x8x1024xi32> to vector<1024xi32>
    %reshape3A_487 = vector.shape_cast %reduce_sum3A_486 : vector<1024xi32> to vector<1024x1xi32>
    %add3A_488 = arith.constant 24576 : i32
    %add3A_489 = vector.broadcast %add3A_488 : i32 to vector<1024x1xi32>
    %add3A_490 = arith.addi %reshape3A_487, %add3A_489 : vector<1024x1xi32>
    %swap3A_491 = arith.constant 15360 : index
    %swap3A_492 = arith.constant 0 : index
    %swap3A_493 = vector.load %arg1[%swap3A_491, %swap3A_492] : memref<16384x1xi32, #tpu.memory_space<vmem>>, vector<1024x1xi32>
    tpu.vector_store %arg1[%swap3A_491, %swap3A_492], %add3A_490 {strides = array<i32>} : memref<16384x1xi32, #tpu.memory_space<vmem>>, vector<1024x1xi32>,
    return
  }
}

</mosaic_0001>

<sc_bundles>
// kernel: kernel.5.cloned.1.call-start
scs
__scs_entry_jumppad:
0x0: {  	(pc) =	sbr.rel $0x88, $3  }
0x1: {  	(tag) =	ssettag $0x0;
	lr =	simm.s32 $0x1  }
0x2: {  	[smem:$0x3F9C] =	sst lr;
	_ =	strace $0xD0000000  }
0x3: {  	_ = 	snop  }
0x4: {  	_ = 	snop  }
0x5: {  	_ = 	snop  }
0x6: {  	_ = 	snop  }
0x7: {  	_ = 	snop  }
__scs_overlays_trampoline_lowered:
0x8: {  	[smem:$0x3FAB] =	sst s0  }
0x9: {  	[smem:$0x3FAC] =	sst s1  }
0xa: {  	[smem:$0x3FAD] =	sst s2  }
0xb: {  	[smem:$0x3FAE] =	sst s3  }
0xc: {  	[smem:$0x3FAF] =	sst s4  }
0xd: {  	[smem:$0x3FB0] =	sst s5  }
0xe: {  	[smem:$0x3FB1] =	sst s6  }
0xf: {  	[smem:$0x3FB2] =	sst s7  }
0x10: {  	[smem:$0x3FB3] =	sst s8  }
0x11: {  	[smem:$0x3FB4] =	sst s9;
	s0 =	simm.s32 @!p0 $0x0  }
0x12: {  	s1 =	sld [smem:$0x3F9A];
	s0 =	simm.s32 @p0 $0x1  }
0x13: {  	[smem:$0x3FB5] =	sst s0;
	s0 =	simm.s32 @!p1 $0x0  }
0x14: {  	s2 =	sld [smem:$0x3F99];
	s0 =	simm.s32 @p1 $0x1  }
0x15: {  	[smem:$0x3FB6] =	sst s0;
	s0 =	simm.s32 @!p2 $0x0  }
0x16: {  	s3 =	sld [smem:$0x3FDB];
	s0 =	simm.s32 @p2 $0x1  }
0x17: {  	s4 =	simm.s32 $0x1BF5;
	[smem:$0x3FB8] =	sst s0  }
0x18: {  	s0 =	sld [smem:$0x3F9B];
	_ =	swait.ge [sflag:s4], $0x0  }
0x19: {  	s7 =	sld [smem:$0x3F9C]  }
0x1a: {  	s8 =	sadd.s32 $0xFFFFE003, lr  }
0x1b: {  	s9 =	sadd.s32 $0xFFFFFEF7, lr;
	s5 =	simm.s32 $0xFFFFFFFF;
	p2 =	slt.u32 s8, $0xFFFFF086  }
0x1c: {  	p1 =	slt.u32 s9, $0xF7A;
	s5 =	simm.s32 @!p2 $0x0  }
0x1d: {  	s5 =	simm.s32 @p1 $0x1;
	p0 =	seq.s32 s7, s2  }
0x1e: {  	s7 =	smul.u32 @!p0 $0xF7A, s2;
	p2 =	seq.s32 @!p0 s5, $0x0  }
0x1f: {  	s9 =	smul.u32 $0xF7A, s1;
	s8 =	simm.s32 @!p0 $0x1BF5;
	p2 =	por !p2, p0  }
0x20: {  	[sflag:s8] =	ssyncset.s32 @!p0 $0xFFFFF086;
	s6 =	sadd.s32 @!p0 s3, s7;
	s7 =	simm.s32 @!p0 $0x108  }
0x21: {  	s3 =	sadd.s32 s3, s9;
	s6 =	sadd.s32 @!p0 $0x88, s6;
	s7 =	simm.s32 @p2 $0x1082  }
0x22: {  	[simem:s7], [sflag:s8] =	dma.local @!p0 [hbm:s6], $0xF7A  }
0x23: {  	s9 =	sor.u32 $0xD0000000, s2;
	s6 =	simm.s32 $0x108;
	_ =	swait.ge @!p0 [sflag:s8], $0x0  }
0x24: {  	s3 =	sadd.s32 $0x88, s3;
	s6 =	simm.s32 @!p1 $0x1082;
	[sflag:s4] =	ssyncset.s32 $0xFFFFF086  }
0x25: {  	[simem:s6], [sflag:s4] =	dma.local [hbm:s3], $0xF7A  }
0x26: {  	[smem:$0x3F9C] =	sst s1;
	(tag) =	ssettag s2;
	_ =	strace s9  }
0x27: {  	s1 =	sld [smem:$0x3FAC]  }
0x28: {  	s2 =	sld [smem:$0x3FAD]  }
0x29: {  	s4 =	sld [smem:$0x3FAF]  }
0x2a: {  	p0 =	seq.s32 s5, $0x0;
	s5 =	sld [smem:$0x3FB0]  }
0x2b: {  	s6 =	sld [smem:$0x3FB1]  }
0x2c: {  	s7 =	sld [smem:$0x3FB2]  }
0x2d: {  	s3 =	simm.s32 $0x108;
	s8 =	sld [smem:$0x3FB3]  }
0x2e: {  	s3 =	simm.s32 @!p0 $0x1082;
	s9 =	sld [smem:$0x3FB4]  }
0x2f: {  	lr =	sadd.s32 s0, s3;
	s0 =	sld [smem:$0x3FAB]  }
0x30: {  	s3 =	sld [smem:$0x3FAE]  }
0x31: {  	[smem:$0x3FB7] =	sst s10  }
0x32: {  	s10 =	sld [smem:$0x3FB5];
	_ =	sdelay $0x3  }
0x33: {  	p0 =	seq.s32 s10, $0x1;
	s10 =	sld [smem:$0x3FB7];
	_ =	sdelay $0x3  }
0x34: {  	[smem:$0x3FB7] =	sst s10  }
0x35: {  	s10 =	sld [smem:$0x3FB6];
	_ =	sdelay $0x3  }
0x36: {  	p1 =	seq.s32 s10, $0x1;
	s10 =	sld [smem:$0x3FB7];
	_ =	sdelay $0x3  }
0x37: {  	[smem:$0x3FB7] =	sst s10  }
0x38: {  	s10 =	sld [smem:$0x3FB8]  }
0x39: {  	_ = 	snop;
	(pc) =	sbr.ind lr, $3  }
0x3a: {  	_ = 	snop  }
0x3b: {  	_ = 	snop  }
0x3c: {  	p2 =	seq.s32 s10, $0x1;
	s10 =	sld [smem:$0x3FB7]  }
0x3d: {  	_ =	shalt  }
0x3e: {  	_ =	shalt  }
0x3f: {  	_ =	shalt  }
0x40: {  	_ =	shalt  }
0x41: {  	_ =	shalt  }
0x42: {  	_ =	shalt  }
0x43: {  	_ =	shalt  }
0x44: {  	_ =	shalt  }
0x45: {  	_ =	shalt  }
0x46: {  	_ =	shalt  }
0x47: {  	_ =	shalt  }
0x48: {  	_ =	shalt  }
0x49: {  	_ =	shalt  }
0x4a: {  	_ =	shalt  }
0x4b: {  	_ =	shalt  }
0x4c: {  	_ =	shalt  }
0x4d: {  	_ =	shalt  }
0x4e: {  	_ =	shalt  }
0x4f: {  	_ =	shalt  }
0x50: {  	_ =	shalt  }
0x51: {  	_ =	shalt  }
0x52: {  	_ =	shalt  }
0x53: {  	_ =	shalt  }
0x54: {  	_ =	shalt  }
0x55: {  	_ =	shalt  }
0x56: {  	_ =	shalt  }
0x57: {  	_ =	shalt  }
0x58: {  	_ =	shalt  }
0x59: {  	_ =	shalt  }
0x5a: {  	_ =	shalt  }
0x5b: {  	_ =	shalt  }
0x5c: {  	_ =	shalt  }
0x5d: {  	_ =	shalt  }
0x5e: {  	_ =	shalt  }
0x5f: {  	_ =	shalt  }
0x60: {  	_ =	shalt  }
0x61: {  	_ =	shalt  }
0x62: {  	_ =	shalt  }
0x63: {  	_ =	shalt  }
0x64: {  	_ =	shalt  }
0x65: {  	_ =	shalt  }
0x66: {  	_ =	shalt  }
0x67: {  	_ =	shalt  }
0x68: {  	_ =	shalt  }
0x69: {  	_ =	shalt  }
0x6a: {  	_ =	shalt  }
0x6b: {  	_ =	shalt  }
0x6c: {  	_ =	shalt  }
0x6d: {  	_ =	shalt  }
0x6e: {  	_ =	shalt  }
0x6f: {  	_ =	shalt  }
0x70: {  	_ =	shalt  }
0x71: {  	_ =	shalt  }
0x72: {  	_ =	shalt  }
0x73: {  	_ =	shalt  }
0x74: {  	_ =	shalt  }
0x75: {  	_ =	shalt  }
0x76: {  	_ =	shalt  }
0x77: {  	_ =	shalt  }
0x78: {  	_ =	shalt  }
0x79: {  	_ =	shalt  }
0x7a: {  	_ =	shalt  }
0x7b: {  	_ =	shalt  }
0x7c: {  	_ =	shalt  }
0x7d: {  	_ =	shalt  }
0x7e: {  	_ =	shalt  }
0x7f: {  	_ =	shalt  }
0x80: {  	_ =	shalt  }
0x81: {  	_ =	shalt  }
0x82: {  	_ =	shalt  }
0x83: {  	_ =	shalt  }
0x84: {  	_ =	shalt  }
0x85: {  	_ =	shalt  }
0x86: {  	_ =	shalt  }
0x87: {  	_ =	shalt  }
.Lfunc_end0:
.L_simem_size_0:
called_computation_lowered:
.L_overlay_start_0:
0x88: {  	s2 =	sld [smem:$0x3FD9]  }
0x89: {  	s3 =	sld [smem:$0x3FFE];
	_ =	sdelay $0x1  }
0x8a: {  	s1 =	srdreg.scid  }
0x8b: {  	s0 =	sand.u32 $0x1, s1  }
0x8c: {  	s17 =	sshll.u32 s0, $0xA;
	s2 =	sadd.s32 s3, s2  }
0x8d: {  	s2 =	sadd.s32 s2, s17  }
0x8e: {  	[smem:$0x3FC3] =	sst s2  }
0x8f: {  	_ = 	snop  }
0x90: {  	s2 =	sld [smem:$0x3FC9]  }
0x91: {  	s18 =	sld [smem:$0x3FD0];
	(tm) =	ssettm $0x1  }
0x92: {  	s4 =	sld [smem:$0x3FFB];
	_ =	sdelay $0x3  }
0x93: {  	_ =	strace s4  }
0x94: {  	s4 =	sld [smem:$0x3FFC];
	_ =	sdelay $0x3  }
0x95: {  	_ =	strace s4  }
0x96: {  	s4 =	sld [smem:$0x3FFD];
	_ =	sdelay $0x3  }
0x97: {  	_ =	strace s4  }
0x98: {  	_ =	strace $0x8FFFFFFF  }
0x99: {  	s19 =	sld [smem:$0x3FDB];
	_ =	sdelay $0x1  }
0x9a: {  	s5 =	simm.s32 $_scs_section_size  }
0x9b: {  	s6 =	simm.s32 $_size__tile_overlayer_lowered;
	s7 =	simm.s32 $_tile_overlayer_lowered  }
0x9c: {  	s22 =	simm.s32 $0x1BFF;
	s21 =	sshll.u32 s7, $0x1;
	s4 =	sadd.s32 s5, s19  }
0x9d: {  	s8 =	simm.s32 $0x0;
	s20 =	sshll.u32 s6, $0x1;
	s6 =	sadd.s32 s21, s4  }
0x9e: {  	[timem:s8], [sflag:s22] =	dma.local [hbm:s6], s20  }
0x9f: {  	_ =	swait.ge [sflag:s22], s20  }
0xa0: {  	s5 =	ssub.s32 $0x0, s20;
	[sflag:s22] =	ssyncset.done $0x0  }
0xa1: {  	[sflag:s22] =	ssyncadd.s32 s5;
	_ =	sdelay $0x1  }
0xa2: {  	s23 =	simm.s32 $0x1B8B  }
0xa3: {  	_ =	swait.ge [sflag:s23], $0x1  }
0xa4: {  	[sflag:s23] =	ssyncset.done $0x0  }
0xa5: {  	s25 =	simm.s32 $0x1B8E;
	s24 =	sld [smem:$0x3FFE];
	[sflag:s23] =	ssyncadd.s32 $0xFFFFFFFF  }
0xa6: {  	s26 =	simm.s32 $execute0_lowered;
	[smem:$0x3FD2] =	sst s25  }
0xa7: {  	s6 =	sshll.u32 s26, $0x1;
	_ =	strace $0x80000046;
	[dreg:$0x1] =	wrdreg $0xFFFFFFFF  }
0xa8: {  	s28 =	simm.s32 $_size_execute0_lowered;
	s4 =	sadd.s32 s4, s6;
	[dreg:$0x0] =	wrdreg $0x0  }
0xa9: {  	s6 =	sshll.u32 s28, $0x1;
	[dreg:$0x2] =	wrdreg s4  }
0xaa: {  	[dreg:$0x3] =	wrdreg s6  }
0xab: {  	[dreg:$0x4] =	wrdreg $0xC0  }
0xac: {  	_ =	task [dreg:s8], $0x5FFFF  }
0xad: {  	[dreg:$0x1] =	wrdreg $0xFFFFFFFF  }
0xae: {  	[dreg:$0x0] =	wrdreg $0x60  }
0xaf: {  	[dreg:$0x2] =	wrdreg s2  }
0xb0: {  	[dreg:$0x3] =	wrdreg s24  }
0xb1: {  	[dreg:$0x4] =	wrdreg s18  }
0xb2: {  	[dreg:$0x5] =	wrdreg $0x9  }
0xb3: {  	_ =	task.clear_ibuf [dreg:s8], $0x6FFFF;
	_ =	strace $0x90000046  }
0xb4: {  	s29 =	simm.s32 $0x9;
	_ =	strace $0x80000048  }
0xb5: {  	_ =	swait.ge [sflag:s29], $0x1  }
0xb6: {  	[sflag:s29] =	ssyncadd.s32 $0xFFFFFFFF  }
0xb7: {  	_ =	strace $0x90000048  }
0xb8: {  	_ =	sfence  }
0xb9: {  	s30 =	sld [smem:$0x0];
	_ =	sdelay $0x2  }
0xba: {  	s31 =	sshll.u32 s1, $0xD;
	s1 =	sshrl.u32 s1, $0x2  }
0xbb: {  	s3 =	sand.u32 $0x4000, s31;
	s1 =	sadd.s32 s1, s30  }
0xbc: {  	s0 =	sor.u32 s3, s0;
	s1 =	sshll.u32 s1, $0x11  }
0xbd: {  	s0 =	sor.u32 s1, s0  }
0xbe: {  	s0 =	sadd.s32 $0x8F2B, s0  }
0xbf: {  	[sflag:s0] =	ssyncadd.remote.s32 $0x1  }
0xc0: {  	_ =	sfence.sel $0xFFFF  }
0xc1: {  	[dreg:$0x0] =	wrdreg $0xFFFFFFFF;
	(pc) =	sbr.abs _section_cstart, $3  }
0xc2: {  	[dreg:$0x1] =	wrdreg $0xFFFFFFFF  }
0xc3: {  	_ =	task.clear_ibuf [dreg:s8], $0x2FFFF;
	_ =	strace $0x9FFFFFFF  }
0xc4: {  	(tm) =	ssettm $0x7FFFFFFF  }
0xc5: {  	_ =	shalt  }
tec
execute0_lowered:
.L_overlay_start_1:
0x0: {  	(tag) =	ssettag $0x1  }
0x1: {  	s0 =	srdreg.scid  }
0x2: {  	s2 =	stileid.u32;
	s1 =	rddreg [dreg:$0x0];
	s0 =	sand.u32 $0x1, s0  }
0x3: {  	s4 =	rddreg [dreg:$0x1];
	s2 =	sshll.u32 s2, $0xA;
	s3 =	sshll.u32 s0, $0x9  }
0x4: {  	s5 =	rddreg [dreg:$0x2];
	s2 =	sor.u32 s3, s2;
	s3 =	simm.s32 $0x0  }
0x5: {  	s19 =	simm.s32 $0xA00;
	[smem:$0x7FF] =	sst s3  }
0x6: {  	s20 =	simm.s32 $0x1200;
	_ =	strace $0x80000047;
	[dreg:$0x5] =	wrdreg s19  }
0x7: {  	s21 =	simm.s32 $0x1A00;
	[dreg:$0x6] =	wrdreg s20  }
0x8: {  	s22 =	simm.s32 $0x2200;
	[dreg:$0x7] =	wrdreg s21  }
0x9: {  	s23 =	simm.s32 $0x2A00;
	[dreg:$0x8] =	wrdreg s22  }
0xa: {  	s24 =	simm.s32 $0x3200;
	[dreg:$0x9] =	wrdreg s23  }
0xb: {  	s25 =	simm.s32 $0x3A00;
	[dreg:$0xa] =	wrdreg s24  }
0xc: {  	s26 =	simm.s32 $0x4200;
	[dreg:$0xb] =	wrdreg s25  }
0xd: {  	s7 =	simm.s32 $0x5200;
	[dreg:$0xc] =	wrdreg s26  }
0xe: {  	s8 =	simm.s32 $0x5A00;
	[dreg:$0xe] =	wrdreg s7  }
0xf: {  	s9 =	simm.s32 $0x6200;
	[dreg:$0xf] =	wrdreg s8  }
0x10: {  	s10 =	simm.s32 $0x6A00;
	[dreg:$0x10] =	wrdreg s9  }
0x11: {  	s11 =	simm.s32 $0x7200;
	[dreg:$0x11] =	wrdreg s10  }
0x12: {  	s12 =	simm.s32 $0x7A00;
	[dreg:$0x12] =	wrdreg s11  }
0x13: {  	s13 =	simm.s32 $0x8200;
	[dreg:$0x13] =	wrdreg s12  }
0x14: {  	s14 =	simm.s32 $0x8A00;
	s15 =	simm.s32 $0x9200;
	[dreg:$0x14] =	wrdreg s13  }
0x15: {  	s16 =	simm.s32 $0x9A00;
	s17 =	simm.s32 $0xA200;
	[dreg:$0x15] =	wrdreg s14  }
0x16: {  	s18 =	simm.s32 $0xAA00;
	s28 =	simm.s32 $0x17200;
	[dreg:$0x16] =	wrdreg s15  }
0x17: {  	s29 =	simm.s32 $0x17A00;
	s30 =	simm.s32 $0x1;
	[dreg:$0x17] =	wrdreg s16  }
0x18: {  	s31 =	simm.s32 $0x0;
	s2 =	sshrl.u32 s2, $0x3;
	[dreg:$0x18] =	wrdreg s17  }
0x19: {  	s0 =	ssub.s32 $0x2, s0;
	s6 =	smul.u32 $0x300, s2;
	[dreg:$0x19] =	wrdreg s18  }
0x1a: {  	s19 =	simm.s32 $0xB200;
	s20 =	sshrl.u32 s0, $0x1;
	s21 =	simm.s32 $0xBA00  }
0x1b: {  	s22 =	simm.s32 $0xC200;
	s2 =	sadd.s32 s4, s2;
	s23 =	simm.s32 $0xCA00  }
0x1c: {  	s24 =	simm.s32 $0xD200;
	s25 =	simm.s32 $0xDA00;
	[dreg:$0x1a] =	wrdreg s19  }
0x1d: {  	s26 =	simm.s32 $0xE200;
	s8 =	simm.s32 $0x2;
	[dreg:$0x1b] =	wrdreg s21  }
0x1e: {  	s9 =	simm.s32 $0x200;
	s10 =	simm.s32 $0xEA00;
	[smem:$0x7FB] =	sst s2  }
0x1f: {  	s11 =	simm.s32 $0xF200;
	s12 =	simm.s32 $0xFA00;
	[dreg:$0x1c] =	wrdreg s22  }
0x20: {  	s13 =	simm.s32 $0x10200;
	s14 =	simm.s32 $0x10A00;
	[dreg:$0x1d] =	wrdreg s23  }
0x21: {  	s15 =	simm.s32 $0x11200;
	s16 =	simm.s32 $0x11A00;
	[dreg:$0x1e] =	wrdreg s24  }
0x22: {  	s17 =	simm.s32 $0x12200;
	s18 =	simm.s32 $0x12A00;
	[dreg:$0x1f] =	wrdreg s25  }
0x23: {  	s0 =	ssub.s32 s0, s20;
	[smem:$0x7FD] =	sst s26;
	s19 =	simm.s32 $0x13200  }
0x24: {  	s20 =	simm.s32 $0x13A00;
	s21 =	simm.s32 $0x14200;
	s22 =	simm.s32 $0x14A00  }
0x25: {  	s23 =	simm.s32 $0x15200;
	s24 =	simm.s32 $0x15A00;
	s5 =	sadd.s32 s6, s5  }
0x26: {  	v2 =	vlaneseq.u32;
	s25 =	simm.s32 $0x16200;
	s6 =	simm.s32 $0x4A00;
	[dreg:$0x4] =	wrdreg s5  }
0x27: {  	vm0 =	vmmov $0xffff;
	v1 =	vshrl.u32 v2, $0x3;
	s26 =	simm.s32 $0x16A00;
	s0 =	smax.u32 s0, $0x1;
	[dreg:$0xd] =	wrdreg s6  }
0x28: {  	v0 =	vand.u32 $0x7, v2;
	v2 =	vor.u32 $0x8, v2;
	v1 =	vmul.u32 $0x8, v1;
	s5 =	sadd.s32 $0x100, s1;
	s6 =	sadd.s32 $0x200, s1;
	[smem:$0x7FC] =	sst s0  }
.LBB2_1:
0x29: {  	s0 =	sld [smem:$0x7FB];
	_ =	sdelay $0x2  }
0x2a: {  	[tilespmem:s3], [sflag:$0x2] =	stream.linear.gather [hbm4b:s0+s3], $0x200, $0x38;
	[tilespmem:$0x18200] =	vst v63  }
0x2b: {  	_ =	swait.ge [sflag:s8], $0x200  }
0x2c: {  	[sflag:s8] =	ssyncset.done $0x0  }
0x2d: {  	s2 =	simm.s32 $0x40;
	s0 =	simm.s32 $0x0;
	[sflag:s8] =	ssyncadd.s32 $0xFFFFFE00  }
.LBB2_2:
0x2e: {  	v3 =	vld [tilespmem:s2+$0xFFFFFFC0];
	_ =	sdelay $0x4  }
0x2f: {  	v4 =	vshrl.u32 v3, $0x3  }
0x30: {  	v4 =	vmul.u32 $0x30, v4  }
0x31: {  	v3 =	vand.u32 $0x7, v3  }
0x32: {  	v3 =	vor.u32 v3, v4  }
0x33: {  	v4 =	vperm.xlane v3, v0;
	_ =	sdelay $0x1  }
0x34: {  	v4 =	vadd.s32 v1, v4;
	_ =	sdelay $0x3  }
0x35: {  	v3 =	vperm.xlane v3, v2  }
0x36: {  	[tilespmem:s9], [sflag:$0x1] =	stream.indirect_vreg.gather [hbm4b:s1+s3], $0x80, v4, vm0, $0xb8;
	[tilespmem:$0x18200] =	vst v63  }
0x37: {  	s4 =	rddreg [dreg:$0x5];
	v3 =	vadd.s32 v1, v3  }
0x38: {  	[tilespmem:s4], [sflag:$0x1] =	stream.indirect_vreg.gather [hbm4b:s5+s3], $0x80, v4, vm0, $0xb8;
	[tilespmem:$0x18200] =	vst v63  }
0x39: {  	s7 =	rddreg [dreg:$0x6]  }
0x3a: {  	[tilespmem:s7], [sflag:$0x1] =	stream.indirect_vreg.gather [hbm4b:s6+s3], $0x80, v4, vm0, $0xb8;
	[tilespmem:$0x18200] =	vst v63  }
0x3b: {  	s4 =	rddreg [dreg:$0x7]  }
0x3c: {  	[tilespmem:s4], [sflag:$0x1] =	stream.indirect_vreg.gather [hbm4b:s1+s3], $0x80, v3, vm0, $0xb8;
	[tilespmem:$0x18200] =	vst v63  }
0x3d: {  	s7 =	rddreg [dreg:$0x8]  }
0x3e: {  	[tilespmem:s7], [sflag:$0x1] =	stream.indirect_vreg.gather [hbm4b:s5+s3], $0x80, v3, vm0, $0xb8;
	[tilespmem:$0x18200] =	vst v63  }
0x3f: {  	s4 =	rddreg [dreg:$0x9]  }
0x40: {  	[tilespmem:s4], [sflag:$0x1] =	stream.indirect_vreg.gather [hbm4b:s6+s3], $0x80, v3, vm0, $0xb8;
	[tilespmem:$0x18200] =	vst v63  }
0x41: {  	v3 =	vld [tilespmem:s2+$0xFFFFFFD0];
	_ =	sdelay $0x4  }
0x42: {  	v57 =	vshrl.u32 v3, $0x3  }
0x43: {  	v4 =	vmul.u32 $0x30, v57  }
0x44: {  	v3 =	vand.u32 $0x7, v3  }
0x45: {  	v3 =	vor.u32 v3, v4  }
0x46: {  	v4 =	vperm.xlane v3, v0;
	_ =	sdelay $0x1  }
0x47: {  	v4 =	vadd.s32 v1, v4;
	_ =	sdelay $0x3  }
0x48: {  	s4 =	rddreg [dreg:$0xa];
	v3 =	vperm.xlane v3, v2  }
0x49: {  	[tilespmem:s4], [sflag:$0x1] =	stream.indirect_vreg.gather [hbm4b:s1+s3], $0x80, v4, vm0, $0xb8;
	[tilespmem:$0x18200] =	vst v63  }
0x4a: {  	s7 =	rddreg [dreg:$0xb];
	v3 =	vadd.s32 v1, v3  }
0x4b: {  	[tilespmem:s7], [sflag:$0x1] =	stream.indirect_vreg.gather [hbm4b:s5+s3], $0x80, v4, vm0, $0xb8;
	[tilespmem:$0x18200] =	vst v63  }
0x4c: {  	s4 =	rddreg [dreg:$0xc]  }
0x4d: {  	[tilespmem:s4], [sflag:$0x1] =	stream.indirect_vreg.gather [hbm4b:s6+s3], $0x80, v4, vm0, $0xb8;
	[tilespmem:$0x18200] =	vst v63  }
0x4e: {  	s7 =	rddreg [dreg:$0xd]  }
0x4f: {  	[tilespmem:s7], [sflag:$0x1] =	stream.indirect_vreg.gather [hbm4b:s1+s3], $0x80, v3, vm0, $0xb8;
	[tilespmem:$0x18200] =	vst v63  }
0x50: {  	s4 =	rddreg [dreg:$0xe]  }
0x51: {  	[tilespmem:s4], [sflag:$0x1] =	stream.indirect_vreg.gather [hbm4b:s5+s3], $0x80, v3, vm0, $0xb8;
	[tilespmem:$0x18200] =	vst v63  }
0x52: {  	s7 =	rddreg [dreg:$0xf]  }
0x53: {  	[tilespmem:s7], [sflag:$0x1] =	stream.indirect_vreg.gather [hbm4b:s6+s3], $0x80, v3, vm0, $0xb8;
	[tilespmem:$0x18200] =	vst v63  }
0x54: {  	v3 =	vld [tilespmem:s2+$0xFFFFFFE0];
	_ =	sdelay $0x4  }
0x55: {  	v58 =	vshrl.u32 v3, $0x3  }
0x56: {  	v4 =	vmul.u32 $0x30, v58  }
0x57: {  	v3 =	vand.u32 $0x7, v3  }
0x58: {  	v3 =	vor.u32 v3, v4  }
0x59: {  	v4 =	vperm.xlane v3, v0;
	_ =	sdelay $0x1  }
0x5a: {  	v4 =	vadd.s32 v1, v4;
	_ =	sdelay $0x3  }
0x5b: {  	s4 =	rddreg [dreg:$0x10];
	v3 =	vperm.xlane v3, v2  }
0x5c: {  	[tilespmem:s4], [sflag:$0x1] =	stream.indirect_vreg.gather [hbm4b:s1+s3], $0x80, v4, vm0, $0xb8;
	[tilespmem:$0x18200] =	vst v63  }
0x5d: {  	s7 =	rddreg [dreg:$0x11];
	v3 =	vadd.s32 v1, v3  }
0x5e: {  	[tilespmem:s7], [sflag:$0x1] =	stream.indirect_vreg.gather [hbm4b:s5+s3], $0x80, v4, vm0, $0xb8;
	[tilespmem:$0x18200] =	vst v63  }
0x5f: {  	s4 =	rddreg [dreg:$0x12]  }
0x60: {  	[tilespmem:s4], [sflag:$0x1] =	stream.indirect_vreg.gather [hbm4b:s6+s3], $0x80, v4, vm0, $0xb8;
	[tilespmem:$0x18200] =	vst v63  }
0x61: {  	s7 =	rddreg [dreg:$0x13]  }
0x62: {  	[tilespmem:s7], [sflag:$0x1] =	stream.indirect_vreg.gather [hbm4b:s1+s3], $0x80, v3, vm0, $0xb8;
	[tilespmem:$0x18200] =	vst v63  }
0x63: {  	s4 =	rddreg [dreg:$0x14]  }
0x64: {  	[tilespmem:s4], [sflag:$0x1] =	stream.indirect_vreg.gather [hbm4b:s5+s3], $0x80, v3, vm0, $0xb8;
	[tilespmem:$0x18200] =	vst v63  }
0x65: {  	s7 =	rddreg [dreg:$0x15]  }
0x66: {  	[tilespmem:s7], [sflag:$0x1] =	stream.indirect_vreg.gather [hbm4b:s6+s3], $0x80, v3, vm0, $0xb8;
	[tilespmem:$0x18200] =	vst v63  }
0x67: {  	v3 =	vld [tilespmem:s2+$0xFFFFFFF0];
	_ =	sdelay $0x4  }
0x68: {  	v59 =	vshrl.u32 v3, $0x3  }
0x69: {  	v4 =	vmul.u32 $0x30, v59  }
0x6a: {  	v3 =	vand.u32 $0x7, v3  }
0x6b: {  	v3 =	vor.u32 v3, v4  }
0x6c: {  	v4 =	vperm.xlane v3, v0;
	_ =	sdelay $0x1  }
0x6d: {  	v4 =	vadd.s32 v1, v4;
	_ =	sdelay $0x3  }
0x6e: {  	s4 =	rddreg [dreg:$0x16];
	v3 =	vperm.xlane v3, v2  }
0x6f: {  	[tilespmem:s4], [sflag:$0x1] =	stream.indirect_vreg.gather [hbm4b:s1+s3], $0x80, v4, vm0, $0xb8;
	[tilespmem:$0x18200] =	vst v63  }
0x70: {  	s7 =	rddreg [dreg:$0x17];
	v3 =	vadd.s32 v1, v3  }
0x71: {  	[tilespmem:s7], [sflag:$0x1] =	stream.indirect_vreg.gather [hbm4b:s5+s3], $0x80, v4, vm0, $0xb8;
	[tilespmem:$0x18200] =	vst v63  }
0x72: {  	s4 =	rddreg [dreg:$0x18]  }
0x73: {  	[tilespmem:s4], [sflag:$0x1] =	stream.indirect_vreg.gather [hbm4b:s6+s3], $0x80, v4, vm0, $0xb8;
	[tilespmem:$0x18200] =	vst v63  }
0x74: {  	s7 =	rddreg [dreg:$0x19]  }
0x75: {  	[tilespmem:s7], [sflag:$0x1] =	stream.indirect_vreg.gather [hbm4b:s1+s3], $0x80, v3, vm0, $0xb8;
	[tilespmem:$0x18200] =	vst v63  }
0x76: {  	s4 =	rddreg [dreg:$0x1a]  }
0x77: {  	[tilespmem:s4], [sflag:$0x1] =	stream.indirect_vreg.gather [hbm4b:s5+s3], $0x80, v3, vm0, $0xb8;
	[tilespmem:$0x18200] =	vst v63  }
0x78: {  	s7 =	rddreg [dreg:$0x1b]  }
0x79: {  	[tilespmem:s7], [sflag:$0x1] =	stream.indirect_vreg.gather [hbm4b:s6+s3], $0x80, v3, vm0, $0xb8;
	[tilespmem:$0x18200] =	vst v63  }
0x7a: {  	v3 =	vld [tilespmem:s2+$0x0];
	_ =	sdelay $0x4  }
0x7b: {  	v60 =	vshrl.u32 v3, $0x3  }
0x7c: {  	v4 =	vmul.u32 $0x30, v60  }
0x7d: {  	v3 =	vand.u32 $0x7, v3  }
0x7e: {  	v3 =	vor.u32 v3, v4  }
0x7f: {  	v4 =	vperm.xlane v3, v0;
	_ =	sdelay $0x1  }
0x80: {  	v4 =	vadd.s32 v1, v4;
	_ =	sdelay $0x2  }
0x81: {  	s4 =	rddreg [dreg:$0x1c]  }
0x82: {  	s7 =	rddreg [dreg:$0x1d];
	v3 =	vperm.xlane v3, v2  }
0x83: {  	[tilespmem:s4], [sflag:$0x1] =	stream.indirect_vreg.gather [hbm4b:s1+s3], $0x80, v4, vm0, $0xb8;
	[tilespmem:$0x18200] =	vst v63  }
0x84: {  	v3 =	vadd.s32 v1, v3;
	s4 =	rddreg [dreg:$0x1e]  }
0x85: {  	[tilespmem:s7], [sflag:$0x1] =	stream.indirect_vreg.gather [hbm4b:s5+s3], $0x80, v4, vm0, $0xb8;
	[tilespmem:$0x18200] =	vst v63  }
0x86: {  	s7 =	rddreg [dreg:$0x1f]  }
0x87: {  	[tilespmem:s4], [sflag:$0x1] =	stream.indirect_vreg.gather [hbm4b:s6+s3], $0x80, v4, vm0, $0xb8;
	[tilespmem:$0x18200] =	vst v63  }
0x88: {  	s4 =	sld [smem:$0x7FD]  }
0x89: {  	[tilespmem:s7], [sflag:$0x1] =	stream.indirect_vreg.gather [hbm4b:s1+s3], $0x80, v3, vm0, $0xb8;
	[tilespmem:$0x18200] =	vst v63  }
0x8a: {  	_ = 	snop  }
0x8b: {  	[tilespmem:s4], [sflag:$0x1] =	stream.indirect_vreg.gather [hbm4b:s5+s3], $0x80, v3, vm0, $0xb8;
	[tilespmem:$0x18200] =	vst v63  }
0x8c: {  	_ = 	snop  }
0x8d: {  	[tilespmem:s10], [sflag:$0x1] =	stream.indirect_vreg.gather [hbm4b:s6+s3], $0x80, v3, vm0, $0xb8;
	[tilespmem:$0x18200] =	vst v63  }
0x8e: {  	v3 =	vld [tilespmem:s2+$0x10];
	_ =	sdelay $0x4  }
0x8f: {  	v61 =	vshrl.u32 v3, $0x3  }
0x90: {  	v4 =	vmul.u32 $0x30, v61  }
0x91: {  	v3 =	vand.u32 $0x7, v3  }
0x92: {  	v3 =	vor.u32 v3, v4  }
0x93: {  	v4 =	vperm.xlane v3, v0;
	_ =	sdelay $0x1  }
0x94: {  	v4 =	vadd.s32 v1, v4;
	_ =	sdelay $0x3  }
0x95: {  	v3 =	vperm.xlane v3, v2  }
0x96: {  	[tilespmem:s11], [sflag:$0x1] =	stream.indirect_vreg.gather [hbm4b:s1+s3], $0x80, v4, vm0, $0xb8;
	[tilespmem:$0x18200] =	vst v63  }
0x97: {  	v3 =	vadd.s32 v1, v3  }
0x98: {  	[tilespmem:s12], [sflag:$0x1] =	stream.indirect_vreg.gather [hbm4b:s5+s3], $0x80, v4, vm0, $0xb8;
	[tilespmem:$0x18200] =	vst v63  }
0x99: {  	_ = 	snop  }
0x9a: {  	[tilespmem:s13], [sflag:$0x1] =	stream.indirect_vreg.gather [hbm4b:s6+s3], $0x80, v4, vm0, $0xb8;
	[tilespmem:$0x18200] =	vst v63  }
0x9b: {  	_ = 	snop  }
0x9c: {  	[tilespmem:s14], [sflag:$0x1] =	stream.indirect_vreg.gather [hbm4b:s1+s3], $0x80, v3, vm0, $0xb8;
	[tilespmem:$0x18200] =	vst v63  }
0x9d: {  	_ = 	snop  }
0x9e: {  	[tilespmem:s15], [sflag:$0x1] =	stream.indirect_vreg.gather [hbm4b:s5+s3], $0x80, v3, vm0, $0xb8;
	[tilespmem:$0x18200] =	vst v63  }
0x9f: {  	_ = 	snop  }
0xa0: {  	[tilespmem:s16], [sflag:$0x1] =	stream.indirect_vreg.gather [hbm4b:s6+s3], $0x80, v3, vm0, $0xb8;
	[tilespmem:$0x18200] =	vst v63  }
0xa1: {  	v3 =	vld [tilespmem:s2+$0x20];
	_ =	sdelay $0x4  }
0xa2: {  	v62 =	vshrl.u32 v3, $0x3  }
0xa3: {  	v4 =	vmul.u32 $0x30, v62  }
0xa4: {  	v3 =	vand.u32 $0x7, v3  }
0xa5: {  	v3 =	vor.u32 v3, v4  }
0xa6: {  	v4 =	vperm.xlane v3, v0;
	_ =	sdelay $0x1  }
0xa7: {  	v4 =	vadd.s32 v1, v4;
	_ =	sdelay $0x3  }
0xa8: {  	v3 =	vperm.xlane v3, v2  }
0xa9: {  	[tilespmem:s17], [sflag:$0x1] =	stream.indirect_vreg.gather [hbm4b:s1+s3], $0x80, v4, vm0, $0xb8;
	[tilespmem:$0x18200] =	vst v63  }
0xaa: {  	v3 =	vadd.s32 v1, v3  }
0xab: {  	[tilespmem:s18], [sflag:$0x1] =	stream.indirect_vreg.gather [hbm4b:s5+s3], $0x80, v4, vm0, $0xb8;
	[tilespmem:$0x18200] =	vst v63  }
0xac: {  	_ = 	snop  }
0xad: {  	[tilespmem:s19], [sflag:$0x1] =	stream.indirect_vreg.gather [hbm4b:s6+s3], $0x80, v4, vm0, $0xb8;
	[tilespmem:$0x18200] =	vst v63  }
0xae: {  	_ = 	snop  }
0xaf: {  	[tilespmem:s20], [sflag:$0x1] =	stream.indirect_vreg.gather [hbm4b:s1+s3], $0x80, v3, vm0, $0xb8;
	[tilespmem:$0x18200] =	vst v63  }
0xb0: {  	_ = 	snop  }
0xb1: {  	[tilespmem:s21], [sflag:$0x1] =	stream.indirect_vreg.gather [hbm4b:s5+s3], $0x80, v3, vm0, $0xb8;
	[tilespmem:$0x18200] =	vst v63  }
0xb2: {  	_ = 	snop  }
0xb3: {  	[tilespmem:s22], [sflag:$0x1] =	stream.indirect_vreg.gather [hbm4b:s6+s3], $0x80, v3, vm0, $0xb8;
	[tilespmem:$0x18200] =	vst v63  }
0xb4: {  	v3 =	vld [tilespmem:s2+$0x30];
	_ =	sdelay $0x4  }
0xb5: {  	v63 =	vshrl.u32 v3, $0x3  }
0xb6: {  	v4 =	vmul.u32 $0x30, v63  }
0xb7: {  	v3 =	vand.u32 $0x7, v3  }
0xb8: {  	v3 =	vor.u32 v3, v4  }
0xb9: {  	v4 =	vperm.xlane v3, v0;
	_ =	sdelay $0x1  }
0xba: {  	v4 =	vadd.s32 v1, v4;
	_ =	sdelay $0x3  }
0xbb: {  	v3 =	vperm.xlane v3, v2  }
0xbc: {  	[tilespmem:s23], [sflag:$0x1] =	stream.indirect_vreg.gather [hbm4b:s1+s3], $0x80, v4, vm0, $0xb8;
	[tilespmem:$0x18200] =	vst v63  }
0xbd: {  	v3 =	vadd.s32 v1, v3  }
0xbe: {  	[tilespmem:s24], [sflag:$0x1] =	stream.indirect_vreg.gather [hbm4b:s5+s3], $0x80, v4, vm0, $0xb8;
	[tilespmem:$0x18200] =	vst v63  }
0xbf: {  	_ = 	snop  }
0xc0: {  	[tilespmem:s25], [sflag:$0x1] =	stream.indirect_vreg.gather [hbm4b:s6+s3], $0x80, v4, vm0, $0xb8;
	[tilespmem:$0x18200] =	vst v63  }
0xc1: {  	_ = 	snop  }
0xc2: {  	[tilespmem:s26], [sflag:$0x1] =	stream.indirect_vreg.gather [hbm4b:s1+s3], $0x80, v3, vm0, $0xb8;
	[tilespmem:$0x18200] =	vst v63  }
0xc3: {  	_ = 	snop  }
0xc4: {  	[tilespmem:s28], [sflag:$0x1] =	stream.indirect_vreg.gather [hbm4b:s5+s3], $0x80, v3, vm0, $0xb8;
	[tilespmem:$0x18200] =	vst v63  }
0xc5: {  	_ = 	snop  }
0xc6: {  	[tilespmem:s29], [sflag:$0x1] =	stream.indirect_vreg.gather [hbm4b:s6+s3], $0x80, v3, vm0, $0xb8;
	[tilespmem:$0x18200] =	vst v63  }
0xc7: {  	_ =	swait.ge [sflag:s30], $0x18000  }
0xc8: {  	p0 =	sne.s32 s0, $0x9000;
	s7 =	rddreg [dreg:$0x4];
	[sflag:s30] =	ssyncset.done $0x0  }
.Ltmp0:
0xc9: {  	[sflag:s30] =	ssyncadd.s32 $0xFFFE8000;
	s4 =	sadd.s32 s0, s7;
	(pc) =	sbr.rel @p0 .LBB2_2-.Ltmp0, $4  }
0xca: {  	[hbm4b:s4+s3] =	stream.linear.scatter [tilespmem:s9], [sflag:$0x2], $0x18000, $0x38;
	[tilespmem:$0x18200] =	vst v63  }
0xcb: {  	_ =	swait.ge [sflag:s8], $0x18000  }
0xcc: {  	[sflag:s8] =	ssyncset.done $0x0  }
0xcd: {  	s2 =	sadd.s32 $0x80, s2;
	s0 =	sadd.s32 $0x3000, s0;
	[sflag:s8] =	ssyncadd.s32 $0xFFFE8000  }
0xce: {  	s0 =	sld [smem:$0x7FC];
	_ =	sdelay $0x1  }
0xcf: {  	s31 =	sadd.s32 $0x1, s31  }
0xd0: {  	p0 =	sne.s32 s31, s0  }
.Ltmp1:
0xd1: {  	_ = 	snop;
	(pc) =	sbr.rel @p0 .LBB2_1-.Ltmp1, $1  }
0xd2: {  	_ =	sdelay $0x3  }
0xd3: {  	_ =	sfence.sel $0x180000  }
0xd4: {  	[bflag:$0x0] =	sbarrier.arrive $0xFFFF  }
0xd5: {  	_ =	strace $0x90000047  }
0xd6: {  	s0 =	stileid.u32;
	[bflag:$0x2] =	sbarrier.arrive $0xFFFF  }
0xd7: {  	p0 =	sne.s32 s0, $0x0;
	s0 =	rddreg [dreg:$0x3]  }
0xd8: {  	s0 =	sadd.s32 @!p0 $0x100000, s0  }
0xd9: {  	[sflag:s0] =	ssyncadd.tile.s32 @!p0 $0x1;
	_ =	shalt  }
.Lfunc_end2:
_tile_overlayer_lowered:
.L_overlay_start_2:
0xda: {  	(tag) =	ssettag $0x2  }
0xdb: {  	s0 =	rddreg [dreg:$0x0];
	s2 =	stileid.u32  }
0xdc: {  	s1 =	rddreg [dreg:$0x1];
	p0 =	sne.s32 s2, $0x0  }
0xdd: {  	s3 =	rddreg [dreg:$0x2];
	[bflag:$0x3] =	sbarrier.arrive $0xFFFF;
	s2 =	simm.s32 @!p0 $0x1C02  }
0xde: {  	[timem:s3], [sflag:s2] =	dma.local @!p0 [hbm:s0], s1  }
0xdf: {  	s0 =	simm.s32 @!p0 $0x2  }
0xe0: {  	_ =	swait.ge @!p0 [sflag:s0], s1  }
0xe1: {  	s1 =	ssub.s32 @!p0 $0x0, s1;
	[sflag:s0] =	ssyncset.done @!p0 $0x0  }
0xe2: {  	[sflag:s0] =	ssyncadd.s32 @!p0 s1  }
0xe3: {  	[bflag:$0x3] =	sbarrier.arrive $0xFFFF  }
0xe4: {  	_ =	shalt  }

</sc_bundles>
